<compile_context>
chip_gen: v7x
topology: tpu7x:2x2x1
jax: 0.10.2.dev20260603
libtpu: 0.0.44.dev20260713+nightly
codegen_flags: <defaults>
</compile_context>

<pallas_src>
import functools

import jax
import jax.numpy as jnp
from jax import lax
from jax.experimental import pallas as pl
from jax.experimental.pallas import tpu as pltpu
from jax.experimental.pallas import tpu_sc as plsc

N = 10000
K = 64
D12 = 12
DH = 3 * D12
DHP = 48
NW = 32
EPW = N * K // NW
BB = 400
NB = EPW // BB
MV = EPW // 16
NBLK = 200


def _tables_body(x_ref, c_ref, h_ref, m_ref):
    x = x_ref[...]
    zf = jnp.zeros((1, D12), jnp.float32)
    left = jnp.concatenate([zf, x[:-1, :]], axis=0)
    right = jnp.concatenate([x[1:, :], zf], axis=0)
    h_ref[...] = jnp.concatenate(
        [left, x, right, jnp.zeros((N, DHP - DH), jnp.float32)], axis=1)

    c = c_ref[...]
    zi = jnp.zeros((1, 1), jnp.int32)
    cl = jnp.concatenate([zi, c[:-1, :]], axis=0)
    cr = jnp.concatenate([c[1:, :], zi], axis=0)
    m_ref[...] = ((cl > 0) & (cl == c) & (cl == cr)).astype(jnp.float32)


_tables = pl.pallas_call(
    _tables_body,
    out_shape=[
        jax.ShapeDtypeStruct((N, DHP), jnp.float32),
        jax.ShapeDtypeStruct((N, 1), jnp.float32),
    ],
)


def _sc_body(htab, mtab, edges, xg, mout,
             bidx0, bidx1, row0, row1, mtab_v, edge_v, mask_v,
             sg0, sg1, sw0, sw1, si0, si1):
    w = lax.axis_index("s") * 2 + lax.axis_index("c")
    slots = ((bidx0, row0, sg0, sw0, si0), (bidx1, row1, sg1, sw1, si1))

    pltpu.sync_copy(edges.at[w], edge_v)
    pltpu.sync_copy(mtab, mtab_v)

    lanes = lax.iota(jnp.int32, 16)

    def mask_body(b, carry):
        for u in range(BB // 16):
            e = edge_v[b, pl.ds(u * 16, 16)]
            nn = jnp.right_shift(lanes + (w * EPW + b * BB + u * 16), 6)
            mn = plsc.load_gather(mtab_v, [nn])
            me = plsc.load_gather(mtab_v, [e])
            mask_v[pl.ds(b * BB + u * 16, 16)] = mn * me
        return carry

    lax.fori_loop(0, NB, mask_body, 0)
    pltpu.sync_copy(mask_v, mout.at[w])

    def dst(b):
        return xg.at[pl.ds(w * EPW + b * BB, BB), pl.ds(0, DHP)]

    pltpu.async_copy(edges.at[w, 0], bidx0, si0)
    pltpu.async_copy(edges.at[w, 1], bidx1, si1)

    def gather_body(t, carry):
        for s in (0, 1):
            b = 2 * t + s
            bi, ro, sg, sw, si = slots[s]

            @pl.when(b >= 2)
            def _wait_write():
                pltpu.make_async_copy(ro, dst(b - 2), sw).wait()

            pltpu.make_async_copy(edges.at[w, b], bi, si).wait()
            pltpu.async_copy(htab.at[bi], ro, sg)
        for s in (0, 1):
            b = 2 * t + s
            bi, ro, sg, sw, si = slots[s]
            pltpu.make_async_copy(htab.at[bi], ro, sg).wait()
            pltpu.async_copy(ro, dst(b), sw)

            @pl.when(b + 2 < NB)
            def _prefetch_idx():
                pltpu.async_copy(edges.at[w, b + 2], bi, si)

        return carry

    lax.fori_loop(0, NB // 2, gather_body, 0)
    pltpu.make_async_copy(row0, dst(NB - 2), sw0).wait()
    pltpu.make_async_copy(row1, dst(NB - 1), sw1).wait()


_sc_gather = pl.kernel(
    _sc_body,
    out_type=[
        jax.ShapeDtypeStruct((N * K, 128), jnp.float32),
        jax.ShapeDtypeStruct((NW, EPW), jnp.float32),
    ],
    mesh=plsc.VectorSubcoreMesh(core_axis_name="c", subcore_axis_name="s"),
    compiler_params=pltpu.CompilerParams(
        needs_layout_passes=False, use_tc_tiling_on_sc=False),
    scratch_types=[
        pltpu.VMEM((BB,), jnp.int32),
        pltpu.VMEM((BB,), jnp.int32),
        pltpu.VMEM((BB, DHP), jnp.float32),
        pltpu.VMEM((BB, DHP), jnp.float32),
        pltpu.VMEM((N,), jnp.float32),
        pltpu.VMEM((NB, BB), jnp.int32),
        pltpu.VMEM((EPW,), jnp.float32),
        pltpu.SemaphoreType.DMA,
        pltpu.SemaphoreType.DMA,
        pltpu.SemaphoreType.DMA,
        pltpu.SemaphoreType.DMA,
        pltpu.SemaphoreType.DMA,
        pltpu.SemaphoreType.DMA,
    ],
)


def _asm_body(h_ref, g_ref, o_ref):
    h = h_ref[...][:, :DH]
    g = g_ref[...][:, :, :DH]
    hb = jnp.broadcast_to(h[:, None, :], (NBLK, K, DH))
    o_ref[...] = jnp.concatenate([hb, g], axis=-1)


_assemble = pl.pallas_call(
    _asm_body,
    grid=(N // NBLK,),
    in_specs=[
        pl.BlockSpec((NBLK, DHP), lambda i: (i, 0)),
        pl.BlockSpec((NBLK, K, 128), lambda i: (i, 0, 0)),
    ],
    out_specs=pl.BlockSpec((NBLK, K, 2 * DH), lambda i: (i, 0, 0)),
    out_shape=jax.ShapeDtypeStruct((N, K, 2 * DH), jnp.float32),
)


def kernel(X, edge_idx, C):
    xf = X.reshape(N, D12)
    c2 = C.reshape(N, 1)
    htab, mtab = _tables(xf, c2)

    edge_slabs = edge_idx.reshape(NW, NB, BB)
    xg, mout = _sc_gather(htab, mtab.reshape(N), edge_slabs)

    xout = _assemble(htab, xg.reshape(N, K, 128))

    X_ij = xout.reshape(1, N, K, 2 * DH // 3, 3)
    mask_ij = mout.reshape(1, N, K, 1)
    return X_ij, mask_ij

# --- scband reference (transcript-rebuilt; emitter-appended) ---
"""Pipeline reference for scband-edge6grids-23759759081728 (READ-ONLY COPY).

The authoritative reference and input builder live on the scoring server;
editing this copy changes nothing except your own understanding.
"""

import jax, jax.numpy as jnp
import numpy as np


def collect_neighbors(h, edge_idx):
    # h: (B, N, D), edge_idx: (B, N, K) -> (B, N, K, D)
    B, N, K = edge_idx.shape
    D = h.shape[-1]
    idx = edge_idx.reshape(B, N * K, 1)
    h_j = jnp.take_along_axis(h, idx, axis=1)  # (B, N*K, D)
    return h_j.reshape(B, N, K, D)


def setup_inputs(seed: int = 0) -> dict:
    key = jax.random.key(seed)
    k1, k2, k3 = jax.random.split(key, 3)
    X = jax.random.normal(k1, (1, 10000, 4, 3), dtype=jnp.float32)
    edge_idx = jax.random.randint(k2, (1, 10000, 64), 0, 10000, dtype=jnp.int32)
    C = jnp.sort(jax.random.randint(k3, (1, 10000), 0, 8, dtype=jnp.int32), axis=-1)
    return {"X": X, "edge_idx": edge_idx, "C": C}


def reference(X, edge_idx, C):
    require_contiguous = True

    def _cat(hs):
        return jnp.concatenate(hs, axis=-1)

    def _mul(hs):
        result = hs[0]
        for h_i in hs[1:]:
            result = result * h_i
        return result

    def _nonzero_and_equal(hs):
        entry_0 = hs[0]
        result = (entry_0 > 0).astype(jnp.float32)
        for h_i in hs[1:]:
            result = result * (entry_0 == h_i).astype(jnp.float32)
        return result

    def _pair_expand(h, collate_fun):
        h_left = jnp.pad(h[:, :-1, :], ((0, 0), (1, 0), (0, 0)))
        h_middle = h
        h_right = jnp.pad(h[:, 1:, :], ((0, 0), (0, 1), (0, 0)))
        h_i = collate_fun((h_left, h_middle, h_right))
        h_j = collect_neighbors(h_i, edge_idx)
        h_i_tile = jnp.broadcast_to(h_i[:, :, None, :], h_j.shape)
        h_ij = collate_fun((h_i_tile, h_j))
        return h_ij

    B, N = X.shape[0], X.shape[1]
    X_flat = X.reshape(B, N, -1)
    X_ij = _pair_expand(X_flat, collate_fun=_cat)
    X_ij = X_ij.reshape(X_ij.shape[:-1] + (-1, 3))

    if require_contiguous:
        mask_ij = _pair_expand(C[..., None], collate_fun=_nonzero_and_equal)
    else:
        mask = (C > 0).astype(jnp.float32)
        mask_ij = _pair_expand(mask[..., None], collate_fun=_mul)
    return X_ij, mask_ij

if __name__ == "__main__":
    import jax
    _d = setup_inputs()
    print(jax.jit(kernel)(*tuple(_d.values())))

</pallas_src>

<mosaic_0001>
#map = affine_map<(d0, d1) -> (0, 0)>
#map1 = affine_map<(d0, d1) -> (0)>
#map2 = affine_map<(d0, d1) -> (0, 0, 0)>
module attributes {stable_mosaic.version = 14 : i64} {
  func.func @_sc_body(%arg0: i32, %arg1: i32, %arg2: memref<10000x48xf32, #tpu.memory_space<hbm>>, %arg3: memref<10000xf32, #tpu.memory_space<hbm>>, %arg4: memref<32x50x400xi32, #tpu.memory_space<hbm>>, %arg5: memref<640000x128xf32, #tpu.memory_space<hbm>>, %arg6: memref<32x20000xf32, #tpu.memory_space<hbm>>, %arg7: memref<400xi32, #tpu.memory_space<vmem>>, %arg8: memref<400xi32, #tpu.memory_space<vmem>>, %arg9: memref<400x48xf32, #tpu.memory_space<vmem>>, %arg10: memref<400x48xf32, #tpu.memory_space<vmem>>, %arg11: memref<10000xf32, #tpu.memory_space<vmem>>, %arg12: memref<50x400xi32, #tpu.memory_space<vmem>>, %arg13: memref<20000xf32, #tpu.memory_space<vmem>>, %arg14: memref<!tpu.dma_semaphore, #tpu.memory_space<semaphore_mem>>, %arg15: memref<!tpu.dma_semaphore, #tpu.memory_space<semaphore_mem>>, %arg16: memref<!tpu.dma_semaphore, #tpu.memory_space<semaphore_mem>>, %arg17: memref<!tpu.dma_semaphore, #tpu.memory_space<semaphore_mem>>, %arg18: memref<!tpu.dma_semaphore, #tpu.memory_space<semaphore_mem>>, %arg19: memref<!tpu.dma_semaphore, #tpu.memory_space<semaphore_mem>>) attributes {dimension_semantics = [#tpu.dimension_semantics<core_parallel>, #tpu.dimension_semantics<subcore_parallel>], iteration_bounds = array<i64: 2, 16>, scalar_prefetch = 0 : i64, scratch_operands = 13 : i64, tpu.core_type = #tpu.core_type<sc_vector_subcore>, window_params = [{transform_indices = #map}, {transform_indices = #map1}, {transform_indices = #map2}, {transform_indices = #map}, {transform_indices = #map}]} {
    %mul3A = arith.constant 2 : i32
    %mul3A_0 = arith.muli %arg1, %mul3A : i32
    %add3A = arith.addi %mul3A_0, %arg0 : i32
    "tpu.region"() ({
      %run_scoped3A = tpu.sem_alloc : memref<!tpu.dma_semaphore, #tpu.memory_space<semaphore_mem>>
      %dma_start3A_40 = arith.constant 0 : i32
      %dma_start3A_41 = arith.constant 0 : i32
      %dma_start3A_42 = tpu.memref_slice %arg4[%add3A, %dma_start3A_40, %dma_start3A_41] : memref<32x50x400xi32, #tpu.memory_space<hbm>> -> memref<1x50x400xi32, #tpu.memory_space<hbm>>
      %dma_start3A_43 = tpu.memref_squeeze %dma_start3A_42 : memref<1x50x400xi32, #tpu.memory_space<hbm>> -> memref<50x400xi32, #tpu.memory_space<hbm>>
      %dma_start3A_44 = arith.constant 0 : i32
      %dma_start3A_45 = arith.constant 0 : i32
      %dma_start3A_46 = tpu.memref_slice %arg4[%add3A, %dma_start3A_44, %dma_start3A_45] : memref<32x50x400xi32, #tpu.memory_space<hbm>> -> memref<1x50x400xi32, #tpu.memory_space<hbm>>
      %dma_start3A_47 = tpu.memref_squeeze %dma_start3A_46 : memref<1x50x400xi32, #tpu.memory_space<hbm>> -> memref<50x400xi32, #tpu.memory_space<hbm>>
      tpu.enqueue_dma source(%dma_start3A_47 : memref<50x400xi32, #tpu.memory_space<hbm>>) target(%arg12 : memref<50x400xi32, #tpu.memory_space<vmem>>) target_semaphore(%run_scoped3A : memref<!tpu.dma_semaphore, #tpu.memory_space<semaphore_mem>>)
      %dma_wait3A_48 = arith.constant 0 : i32
      %dma_wait3A_49 = arith.constant 0 : i32
      %dma_wait3A_50 = tpu.memref_slice %arg4[%add3A, %dma_wait3A_48, %dma_wait3A_49] : memref<32x50x400xi32, #tpu.memory_space<hbm>> -> memref<1x50x400xi32, #tpu.memory_space<hbm>>
      %dma_wait3A_51 = tpu.memref_squeeze %dma_wait3A_50 : memref<1x50x400xi32, #tpu.memory_space<hbm>> -> memref<50x400xi32, #tpu.memory_space<hbm>>
      %dma_wait3A_52 = arith.constant 0 : i32
      %dma_wait3A_53 = arith.constant 0 : i32
      %dma_wait3A_54 = tpu.memref_slice %arg4[%add3A, %dma_wait3A_52, %dma_wait3A_53] : memref<32x50x400xi32, #tpu.memory_space<hbm>> -> memref<1x50x400xi32, #tpu.memory_space<hbm>>
      %dma_wait3A_55 = tpu.memref_squeeze %dma_wait3A_54 : memref<1x50x400xi32, #tpu.memory_space<hbm>> -> memref<50x400xi32, #tpu.memory_space<hbm>>
      tpu.wait_dma2 semaphore(%run_scoped3A : memref<!tpu.dma_semaphore, #tpu.memory_space<semaphore_mem>>) src(%dma_wait3A_55 : memref<50x400xi32, #tpu.memory_space<hbm>>) dst(%arg12 : memref<50x400xi32, #tpu.memory_space<vmem>>)
      tpu.yield
    }) : () -> ()
    "tpu.region"() ({
      %run_scoped3A = tpu.sem_alloc : memref<!tpu.dma_semaphore, #tpu.memory_space<semaphore_mem>>
      tpu.enqueue_dma source(%arg3 : memref<10000xf32, #tpu.memory_space<hbm>>) target(%arg11 : memref<10000xf32, #tpu.memory_space<vmem>>) target_semaphore(%run_scoped3A : memref<!tpu.dma_semaphore, #tpu.memory_space<semaphore_mem>>)
      tpu.wait_dma2 semaphore(%run_scoped3A : memref<!tpu.dma_semaphore, #tpu.memory_space<semaphore_mem>>) src(%arg3 : memref<10000xf32, #tpu.memory_space<hbm>>) dst(%arg11 : memref<10000xf32, #tpu.memory_space<vmem>>)
      tpu.yield
    }) : () -> ()
    %iota3A = tpu.iota {dimensions = array<i32: 0>} : vector<16xi32>
    %scan3A = arith.constant 0 : i32
    %scan3A_1 = arith.constant 0 : i32
    %scan3A_2 = arith.constant 50 : i32
    %scan3A_3 = arith.addi %scan3A_1, %scan3A_2 : i32
    %scan3A_4 = arith.constant 1 : i32
    scf.for %scan3A_40 = %scan3A_1 to %scan3A_3 step %scan3A_4  : i32 {
      %get3A = arith.index_cast %scan3A_40 : i32 to index
      %get3A_41 = arith.constant 0 : index
      %get3A_42 = tpu.vector_load %arg12[%get3A, %get3A_41] {strides = array<i32>} : memref<50x400xi32, #tpu.memory_space<vmem>>, vector<16xi32>,
      %mul3A_43 = arith.constant 20000 : i32
      %mul3A_44 = arith.muli %add3A, %mul3A_43 : i32
      %mul3A_45 = arith.constant 400 : i32
      %mul3A_46 = arith.muli %scan3A_40, %mul3A_45 : i32
      %add3A_47 = arith.addi %mul3A_44, %mul3A_46 : i32
      %add3A_48 = arith.constant 0 : i32
      %add3A_49 = arith.addi %add3A_47, %add3A_48 : i32
      %add3A_50 = vector.broadcast %add3A_49 : i32 to vector<16xi32>
      %add3A_51 = arith.addi %iota3A, %add3A_50 : vector<16xi32>
      %shift_right_arithmetic3A = arith.constant 6 : i32
      %shift_right_arithmetic3A_52 = vector.broadcast %shift_right_arithmetic3A : i32 to vector<16xi32>
      %shift_right_arithmetic3A_53 = arith.shrsi %add3A_51, %shift_right_arithmetic3A_52 : vector<16xi32>
      %gather3A = tpu.vector_load_idx %arg11[%shift_right_arithmetic3A_53] : memref<10000xf32, #tpu.memory_space<vmem>>[vector<16xi32>], vector<16xf32>,
      %gather3A_54 = tpu.vector_load_idx %arg11[%get3A_42] : memref<10000xf32, #tpu.memory_space<vmem>>[vector<16xi32>], vector<16xf32>,
      %mul3A_55 = arith.mulf %gather3A, %gather3A_54 : vector<16xf32>
      %mul3A_56 = arith.constant 400 : i32
      %mul3A_57 = arith.muli %scan3A_40, %mul3A_56 : i32
      %add3A_58 = arith.constant 0 : i32
      %add3A_59 = arith.addi %mul3A_57, %add3A_58 : i32
      %swap3A = arith.index_cast %add3A_59 : i32 to index
      %swap3A_60 = tpu.vector_load %arg13[%swap3A] {strides = array<i32>} : memref<20000xf32, #tpu.memory_space<vmem>>, vector<16xf32>,
      tpu.vector_store %arg13[%swap3A], %mul3A_55 {strides = array<i32>} : memref<20000xf32, #tpu.memory_space<vmem>>, vector<16xf32>,
      %get3A_61 = arith.index_cast %scan3A_40 : i32 to index
      %get3A_62 = arith.constant 16 : index
      %get3A_63 = tpu.vector_load %arg12[%get3A_61, %get3A_62] {strides = array<i32>} : memref<50x400xi32, #tpu.memory_space<vmem>>, vector<16xi32>,
      %mul3A_64 = arith.constant 20000 : i32
      %mul3A_65 = arith.muli %add3A, %mul3A_64 : i32
      %mul3A_66 = arith.constant 400 : i32
      %mul3A_67 = arith.muli %scan3A_40, %mul3A_66 : i32
      %add3A_68 = arith.addi %mul3A_65, %mul3A_67 : i32
      %add3A_69 = arith.constant 16 : i32
      %add3A_70 = arith.addi %add3A_68, %add3A_69 : i32
      %add3A_71 = vector.broadcast %add3A_70 : i32 to vector<16xi32>
      %add3A_72 = arith.addi %iota3A, %add3A_71 : vector<16xi32>
      %shift_right_arithmetic3A_73 = arith.constant 6 : i32
      %shift_right_arithmetic3A_74 = vector.broadcast %shift_right_arithmetic3A_73 : i32 to vector<16xi32>
      %shift_right_arithmetic3A_75 = arith.shrsi %add3A_72, %shift_right_arithmetic3A_74 : vector<16xi32>
      %gather3A_76 = tpu.vector_load_idx %arg11[%shift_right_arithmetic3A_75] : memref<10000xf32, #tpu.memory_space<vmem>>[vector<16xi32>], vector<16xf32>,
      %gather3A_77 = tpu.vector_load_idx %arg11[%get3A_63] : memref<10000xf32, #tpu.memory_space<vmem>>[vector<16xi32>], vector<16xf32>,
      %mul3A_78 = arith.mulf %gather3A_76, %gather3A_77 : vector<16xf32>
      %mul3A_79 = arith.constant 400 : i32
      %mul3A_80 = arith.muli %scan3A_40, %mul3A_79 : i32
      %add3A_81 = arith.constant 16 : i32
      %add3A_82 = arith.addi %mul3A_80, %add3A_81 : i32
      %swap3A_83 = arith.index_cast %add3A_82 : i32 to index
      %swap3A_84 = tpu.vector_load %arg13[%swap3A_83] {strides = array<i32>} : memref<20000xf32, #tpu.memory_space<vmem>>, vector<16xf32>,
      tpu.vector_store %arg13[%swap3A_83], %mul3A_78 {strides = array<i32>} : memref<20000xf32, #tpu.memory_space<vmem>>, vector<16xf32>,
      %get3A_85 = arith.index_cast %scan3A_40 : i32 to index
      %get3A_86 = arith.constant 32 : index
      %get3A_87 = tpu.vector_load %arg12[%get3A_85, %get3A_86] {strides = array<i32>} : memref<50x400xi32, #tpu.memory_space<vmem>>, vector<16xi32>,
      %mul3A_88 = arith.constant 20000 : i32
      %mul3A_89 = arith.muli %add3A, %mul3A_88 : i32
      %mul3A_90 = arith.constant 400 : i32
      %mul3A_91 = arith.muli %scan3A_40, %mul3A_90 : i32
      %add3A_92 = arith.addi %mul3A_89, %mul3A_91 : i32
      %add3A_93 = arith.constant 32 : i32
      %add3A_94 = arith.addi %add3A_92, %add3A_93 : i32
      %add3A_95 = vector.broadcast %add3A_94 : i32 to vector<16xi32>
      %add3A_96 = arith.addi %iota3A, %add3A_95 : vector<16xi32>
      %shift_right_arithmetic3A_97 = arith.constant 6 : i32
      %shift_right_arithmetic3A_98 = vector.broadcast %shift_right_arithmetic3A_97 : i32 to vector<16xi32>
      %shift_right_arithmetic3A_99 = arith.shrsi %add3A_96, %shift_right_arithmetic3A_98 : vector<16xi32>
      %gather3A_100 = tpu.vector_load_idx %arg11[%shift_right_arithmetic3A_99] : memref<10000xf32, #tpu.memory_space<vmem>>[vector<16xi32>], vector<16xf32>,
      %gather3A_101 = tpu.vector_load_idx %arg11[%get3A_87] : memref<10000xf32, #tpu.memory_space<vmem>>[vector<16xi32>], vector<16xf32>,
      %mul3A_102 = arith.mulf %gather3A_100, %gather3A_101 : vector<16xf32>
      %mul3A_103 = arith.constant 400 : i32
      %mul3A_104 = arith.muli %scan3A_40, %mul3A_103 : i32
      %add3A_105 = arith.constant 32 : i32
      %add3A_106 = arith.addi %mul3A_104, %add3A_105 : i32
      %swap3A_107 = arith.index_cast %add3A_106 : i32 to index
      %swap3A_108 = tpu.vector_load %arg13[%swap3A_107] {strides = array<i32>} : memref<20000xf32, #tpu.memory_space<vmem>>, vector<16xf32>,
      tpu.vector_store %arg13[%swap3A_107], %mul3A_102 {strides = array<i32>} : memref<20000xf32, #tpu.memory_space<vmem>>, vector<16xf32>,
      %get3A_109 = arith.index_cast %scan3A_40 : i32 to index
      %get3A_110 = arith.constant 48 : index
      %get3A_111 = tpu.vector_load %arg12[%get3A_109, %get3A_110] {strides = array<i32>} : memref<50x400xi32, #tpu.memory_space<vmem>>, vector<16xi32>,
      %mul3A_112 = arith.constant 20000 : i32
      %mul3A_113 = arith.muli %add3A, %mul3A_112 : i32
      %mul3A_114 = arith.constant 400 : i32
      %mul3A_115 = arith.muli %scan3A_40, %mul3A_114 : i32
      %add3A_116 = arith.addi %mul3A_113, %mul3A_115 : i32
      %add3A_117 = arith.constant 48 : i32
      %add3A_118 = arith.addi %add3A_116, %add3A_117 : i32
      %add3A_119 = vector.broadcast %add3A_118 : i32 to vector<16xi32>
      %add3A_120 = arith.addi %iota3A, %add3A_119 : vector<16xi32>
      %shift_right_arithmetic3A_121 = arith.constant 6 : i32
      %shift_right_arithmetic3A_122 = vector.broadcast %shift_right_arithmetic3A_121 : i32 to vector<16xi32>
      %shift_right_arithmetic3A_123 = arith.shrsi %add3A_120, %shift_right_arithmetic3A_122 : vector<16xi32>
      %gather3A_124 = tpu.vector_load_idx %arg11[%shift_right_arithmetic3A_123] : memref<10000xf32, #tpu.memory_space<vmem>>[vector<16xi32>], vector<16xf32>,
      %gather3A_125 = tpu.vector_load_idx %arg11[%get3A_111] : memref<10000xf32, #tpu.memory_space<vmem>>[vector<16xi32>], vector<16xf32>,
      %mul3A_126 = arith.mulf %gather3A_124, %gather3A_125 : vector<16xf32>
      %mul3A_127 = arith.constant 400 : i32
      %mul3A_128 = arith.muli %scan3A_40, %mul3A_127 : i32
      %add3A_129 = arith.constant 48 : i32
      %add3A_130 = arith.addi %mul3A_128, %add3A_129 : i32
      %swap3A_131 = arith.index_cast %add3A_130 : i32 to index
      %swap3A_132 = tpu.vector_load %arg13[%swap3A_131] {strides = array<i32>} : memref<20000xf32, #tpu.memory_space<vmem>>, vector<16xf32>,
      tpu.vector_store %arg13[%swap3A_131], %mul3A_126 {strides = array<i32>} : memref<20000xf32, #tpu.memory_space<vmem>>, vector<16xf32>,
      %get3A_133 = arith.index_cast %scan3A_40 : i32 to index
      %get3A_134 = arith.constant 64 : index
      %get3A_135 = tpu.vector_load %arg12[%get3A_133, %get3A_134] {strides = array<i32>} : memref<50x400xi32, #tpu.memory_space<vmem>>, vector<16xi32>,
      %mul3A_136 = arith.constant 20000 : i32
      %mul3A_137 = arith.muli %add3A, %mul3A_136 : i32
      %mul3A_138 = arith.constant 400 : i32
      %mul3A_139 = arith.muli %scan3A_40, %mul3A_138 : i32
      %add3A_140 = arith.addi %mul3A_137, %mul3A_139 : i32
      %add3A_141 = arith.constant 64 : i32
      %add3A_142 = arith.addi %add3A_140, %add3A_141 : i32
      %add3A_143 = vector.broadcast %add3A_142 : i32 to vector<16xi32>
      %add3A_144 = arith.addi %iota3A, %add3A_143 : vector<16xi32>
      %shift_right_arithmetic3A_145 = arith.constant 6 : i32
      %shift_right_arithmetic3A_146 = vector.broadcast %shift_right_arithmetic3A_145 : i32 to vector<16xi32>
      %shift_right_arithmetic3A_147 = arith.shrsi %add3A_144, %shift_right_arithmetic3A_146 : vector<16xi32>
      %gather3A_148 = tpu.vector_load_idx %arg11[%shift_right_arithmetic3A_147] : memref<10000xf32, #tpu.memory_space<vmem>>[vector<16xi32>], vector<16xf32>,
      %gather3A_149 = tpu.vector_load_idx %arg11[%get3A_135] : memref<10000xf32, #tpu.memory_space<vmem>>[vector<16xi32>], vector<16xf32>,
      %mul3A_150 = arith.mulf %gather3A_148, %gather3A_149 : vector<16xf32>
      %mul3A_151 = arith.constant 400 : i32
      %mul3A_152 = arith.muli %scan3A_40, %mul3A_151 : i32
      %add3A_153 = arith.constant 64 : i32
      %add3A_154 = arith.addi %mul3A_152, %add3A_153 : i32
      %swap3A_155 = arith.index_cast %add3A_154 : i32 to index
      %swap3A_156 = tpu.vector_load %arg13[%swap3A_155] {strides = array<i32>} : memref<20000xf32, #tpu.memory_space<vmem>>, vector<16xf32>,
      tpu.vector_store %arg13[%swap3A_155], %mul3A_150 {strides = array<i32>} : memref<20000xf32, #tpu.memory_space<vmem>>, vector<16xf32>,
      %get3A_157 = arith.index_cast %scan3A_40 : i32 to index
      %get3A_158 = arith.constant 80 : index
      %get3A_159 = tpu.vector_load %arg12[%get3A_157, %get3A_158] {strides = array<i32>} : memref<50x400xi32, #tpu.memory_space<vmem>>, vector<16xi32>,
      %mul3A_160 = arith.constant 20000 : i32
      %mul3A_161 = arith.muli %add3A, %mul3A_160 : i32
      %mul3A_162 = arith.constant 400 : i32
      %mul3A_163 = arith.muli %scan3A_40, %mul3A_162 : i32
      %add3A_164 = arith.addi %mul3A_161, %mul3A_163 : i32
      %add3A_165 = arith.constant 80 : i32
      %add3A_166 = arith.addi %add3A_164, %add3A_165 : i32
      %add3A_167 = vector.broadcast %add3A_166 : i32 to vector<16xi32>
      %add3A_168 = arith.addi %iota3A, %add3A_167 : vector<16xi32>
      %shift_right_arithmetic3A_169 = arith.constant 6 : i32
      %shift_right_arithmetic3A_170 = vector.broadcast %shift_right_arithmetic3A_169 : i32 to vector<16xi32>
      %shift_right_arithmetic3A_171 = arith.shrsi %add3A_168, %shift_right_arithmetic3A_170 : vector<16xi32>
      %gather3A_172 = tpu.vector_load_idx %arg11[%shift_right_arithmetic3A_171] : memref<10000xf32, #tpu.memory_space<vmem>>[vector<16xi32>], vector<16xf32>,
      %gather3A_173 = tpu.vector_load_idx %arg11[%get3A_159] : memref<10000xf32, #tpu.memory_space<vmem>>[vector<16xi32>], vector<16xf32>,
      %mul3A_174 = arith.mulf %gather3A_172, %gather3A_173 : vector<16xf32>
      %mul3A_175 = arith.constant 400 : i32
      %mul3A_176 = arith.muli %scan3A_40, %mul3A_175 : i32
      %add3A_177 = arith.constant 80 : i32
      %add3A_178 = arith.addi %mul3A_176, %add3A_177 : i32
      %swap3A_179 = arith.index_cast %add3A_178 : i32 to index
      %swap3A_180 = tpu.vector_load %arg13[%swap3A_179] {strides = array<i32>} : memref<20000xf32, #tpu.memory_space<vmem>>, vector<16xf32>,
      tpu.vector_store %arg13[%swap3A_179], %mul3A_174 {strides = array<i32>} : memref<20000xf32, #tpu.memory_space<vmem>>, vector<16xf32>,
      %get3A_181 = arith.index_cast %scan3A_40 : i32 to index
      %get3A_182 = arith.constant 96 : index
      %get3A_183 = tpu.vector_load %arg12[%get3A_181, %get3A_182] {strides = array<i32>} : memref<50x400xi32, #tpu.memory_space<vmem>>, vector<16xi32>,
      %mul3A_184 = arith.constant 20000 : i32
      %mul3A_185 = arith.muli %add3A, %mul3A_184 : i32
      %mul3A_186 = arith.constant 400 : i32
      %mul3A_187 = arith.muli %scan3A_40, %mul3A_186 : i32
      %add3A_188 = arith.addi %mul3A_185, %mul3A_187 : i32
      %add3A_189 = arith.constant 96 : i32
      %add3A_190 = arith.addi %add3A_188, %add3A_189 : i32
      %add3A_191 = vector.broadcast %add3A_190 : i32 to vector<16xi32>
      %add3A_192 = arith.addi %iota3A, %add3A_191 : vector<16xi32>
      %shift_right_arithmetic3A_193 = arith.constant 6 : i32
      %shift_right_arithmetic3A_194 = vector.broadcast %shift_right_arithmetic3A_193 : i32 to vector<16xi32>
      %shift_right_arithmetic3A_195 = arith.shrsi %add3A_192, %shift_right_arithmetic3A_194 : vector<16xi32>
      %gather3A_196 = tpu.vector_load_idx %arg11[%shift_right_arithmetic3A_195] : memref<10000xf32, #tpu.memory_space<vmem>>[vector<16xi32>], vector<16xf32>,
      %gather3A_197 = tpu.vector_load_idx %arg11[%get3A_183] : memref<10000xf32, #tpu.memory_space<vmem>>[vector<16xi32>], vector<16xf32>,
      %mul3A_198 = arith.mulf %gather3A_196, %gather3A_197 : vector<16xf32>
      %mul3A_199 = arith.constant 400 : i32
      %mul3A_200 = arith.muli %scan3A_40, %mul3A_199 : i32
      %add3A_201 = arith.constant 96 : i32
      %add3A_202 = arith.addi %mul3A_200, %add3A_201 : i32
      %swap3A_203 = arith.index_cast %add3A_202 : i32 to index
      %swap3A_204 = tpu.vector_load %arg13[%swap3A_203] {strides = array<i32>} : memref<20000xf32, #tpu.memory_space<vmem>>, vector<16xf32>,
      tpu.vector_store %arg13[%swap3A_203], %mul3A_198 {strides = array<i32>} : memref<20000xf32, #tpu.memory_space<vmem>>, vector<16xf32>,
      %get3A_205 = arith.index_cast %scan3A_40 : i32 to index
      %get3A_206 = arith.constant 112 : index
      %get3A_207 = tpu.vector_load %arg12[%get3A_205, %get3A_206] {strides = array<i32>} : memref<50x400xi32, #tpu.memory_space<vmem>>, vector<16xi32>,
      %mul3A_208 = arith.constant 20000 : i32
      %mul3A_209 = arith.muli %add3A, %mul3A_208 : i32
      %mul3A_210 = arith.constant 400 : i32
      %mul3A_211 = arith.muli %scan3A_40, %mul3A_210 : i32
      %add3A_212 = arith.addi %mul3A_209, %mul3A_211 : i32
      %add3A_213 = arith.constant 112 : i32
      %add3A_214 = arith.addi %add3A_212, %add3A_213 : i32
      %add3A_215 = vector.broadcast %add3A_214 : i32 to vector<16xi32>
      %add3A_216 = arith.addi %iota3A, %add3A_215 : vector<16xi32>
      %shift_right_arithmetic3A_217 = arith.constant 6 : i32
      %shift_right_arithmetic3A_218 = vector.broadcast %shift_right_arithmetic3A_217 : i32 to vector<16xi32>
      %shift_right_arithmetic3A_219 = arith.shrsi %add3A_216, %shift_right_arithmetic3A_218 : vector<16xi32>
      %gather3A_220 = tpu.vector_load_idx %arg11[%shift_right_arithmetic3A_219] : memref<10000xf32, #tpu.memory_space<vmem>>[vector<16xi32>], vector<16xf32>,
      %gather3A_221 = tpu.vector_load_idx %arg11[%get3A_207] : memref<10000xf32, #tpu.memory_space<vmem>>[vector<16xi32>], vector<16xf32>,
      %mul3A_222 = arith.mulf %gather3A_220, %gather3A_221 : vector<16xf32>
      %mul3A_223 = arith.constant 400 : i32
      %mul3A_224 = arith.muli %scan3A_40, %mul3A_223 : i32
      %add3A_225 = arith.constant 112 : i32
      %add3A_226 = arith.addi %mul3A_224, %add3A_225 : i32
      %swap3A_227 = arith.index_cast %add3A_226 : i32 to index
      %swap3A_228 = tpu.vector_load %arg13[%swap3A_227] {strides = array<i32>} : memref<20000xf32, #tpu.memory_space<vmem>>, vector<16xf32>,
      tpu.vector_store %arg13[%swap3A_227], %mul3A_222 {strides = array<i32>} : memref<20000xf32, #tpu.memory_space<vmem>>, vector<16xf32>,
      %get3A_229 = arith.index_cast %scan3A_40 : i32 to index
      %get3A_230 = arith.constant 128 : index
      %get3A_231 = tpu.vector_load %arg12[%get3A_229, %get3A_230] {strides = array<i32>} : memref<50x400xi32, #tpu.memory_space<vmem>>, vector<16xi32>,
      %mul3A_232 = arith.constant 20000 : i32
      %mul3A_233 = arith.muli %add3A, %mul3A_232 : i32
      %mul3A_234 = arith.constant 400 : i32
      %mul3A_235 = arith.muli %scan3A_40, %mul3A_234 : i32
      %add3A_236 = arith.addi %mul3A_233, %mul3A_235 : i32
      %add3A_237 = arith.constant 128 : i32
      %add3A_238 = arith.addi %add3A_236, %add3A_237 : i32
      %add3A_239 = vector.broadcast %add3A_238 : i32 to vector<16xi32>
      %add3A_240 = arith.addi %iota3A, %add3A_239 : vector<16xi32>
      %shift_right_arithmetic3A_241 = arith.constant 6 : i32
      %shift_right_arithmetic3A_242 = vector.broadcast %shift_right_arithmetic3A_241 : i32 to vector<16xi32>
      %shift_right_arithmetic3A_243 = arith.shrsi %add3A_240, %shift_right_arithmetic3A_242 : vector<16xi32>
      %gather3A_244 = tpu.vector_load_idx %arg11[%shift_right_arithmetic3A_243] : memref<10000xf32, #tpu.memory_space<vmem>>[vector<16xi32>], vector<16xf32>,
      %gather3A_245 = tpu.vector_load_idx %arg11[%get3A_231] : memref<10000xf32, #tpu.memory_space<vmem>>[vector<16xi32>], vector<16xf32>,
      %mul3A_246 = arith.mulf %gather3A_244, %gather3A_245 : vector<16xf32>
      %mul3A_247 = arith.constant 400 : i32
      %mul3A_248 = arith.muli %scan3A_40, %mul3A_247 : i32
      %add3A_249 = arith.constant 128 : i32
      %add3A_250 = arith.addi %mul3A_248, %add3A_249 : i32
      %swap3A_251 = arith.index_cast %add3A_250 : i32 to index
      %swap3A_252 = tpu.vector_load %arg13[%swap3A_251] {strides = array<i32>} : memref<20000xf32, #tpu.memory_space<vmem>>, vector<16xf32>,
      tpu.vector_store %arg13[%swap3A_251], %mul3A_246 {strides = array<i32>} : memref<20000xf32, #tpu.memory_space<vmem>>, vector<16xf32>,
      %get3A_253 = arith.index_cast %scan3A_40 : i32 to index
      %get3A_254 = arith.constant 144 : index
      %get3A_255 = tpu.vector_load %arg12[%get3A_253, %get3A_254] {strides = array<i32>} : memref<50x400xi32, #tpu.memory_space<vmem>>, vector<16xi32>,
      %mul3A_256 = arith.constant 20000 : i32
      %mul3A_257 = arith.muli %add3A, %mul3A_256 : i32
      %mul3A_258 = arith.constant 400 : i32
      %mul3A_259 = arith.muli %scan3A_40, %mul3A_258 : i32
      %add3A_260 = arith.addi %mul3A_257, %mul3A_259 : i32
      %add3A_261 = arith.constant 144 : i32
      %add3A_262 = arith.addi %add3A_260, %add3A_261 : i32
      %add3A_263 = vector.broadcast %add3A_262 : i32 to vector<16xi32>
      %add3A_264 = arith.addi %iota3A, %add3A_263 : vector<16xi32>
      %shift_right_arithmetic3A_265 = arith.constant 6 : i32
      %shift_right_arithmetic3A_266 = vector.broadcast %shift_right_arithmetic3A_265 : i32 to vector<16xi32>
      %shift_right_arithmetic3A_267 = arith.shrsi %add3A_264, %shift_right_arithmetic3A_266 : vector<16xi32>
      %gather3A_268 = tpu.vector_load_idx %arg11[%shift_right_arithmetic3A_267] : memref<10000xf32, #tpu.memory_space<vmem>>[vector<16xi32>], vector<16xf32>,
      %gather3A_269 = tpu.vector_load_idx %arg11[%get3A_255] : memref<10000xf32, #tpu.memory_space<vmem>>[vector<16xi32>], vector<16xf32>,
      %mul3A_270 = arith.mulf %gather3A_268, %gather3A_269 : vector<16xf32>
      %mul3A_271 = arith.constant 400 : i32
      %mul3A_272 = arith.muli %scan3A_40, %mul3A_271 : i32
      %add3A_273 = arith.constant 144 : i32
      %add3A_274 = arith.addi %mul3A_272, %add3A_273 : i32
      %swap3A_275 = arith.index_cast %add3A_274 : i32 to index
      %swap3A_276 = tpu.vector_load %arg13[%swap3A_275] {strides = array<i32>} : memref<20000xf32, #tpu.memory_space<vmem>>, vector<16xf32>,
      tpu.vector_store %arg13[%swap3A_275], %mul3A_270 {strides = array<i32>} : memref<20000xf32, #tpu.memory_space<vmem>>, vector<16xf32>,
      %get3A_277 = arith.index_cast %scan3A_40 : i32 to index
      %get3A_278 = arith.constant 160 : index
      %get3A_279 = tpu.vector_load %arg12[%get3A_277, %get3A_278] {strides = array<i32>} : memref<50x400xi32, #tpu.memory_space<vmem>>, vector<16xi32>,
      %mul3A_280 = arith.constant 20000 : i32
      %mul3A_281 = arith.muli %add3A, %mul3A_280 : i32
      %mul3A_282 = arith.constant 400 : i32
      %mul3A_283 = arith.muli %scan3A_40, %mul3A_282 : i32
      %add3A_284 = arith.addi %mul3A_281, %mul3A_283 : i32
      %add3A_285 = arith.constant 160 : i32
      %add3A_286 = arith.addi %add3A_284, %add3A_285 : i32
      %add3A_287 = vector.broadcast %add3A_286 : i32 to vector<16xi32>
      %add3A_288 = arith.addi %iota3A, %add3A_287 : vector<16xi32>
      %shift_right_arithmetic3A_289 = arith.constant 6 : i32
      %shift_right_arithmetic3A_290 = vector.broadcast %shift_right_arithmetic3A_289 : i32 to vector<16xi32>
      %shift_right_arithmetic3A_291 = arith.shrsi %add3A_288, %shift_right_arithmetic3A_290 : vector<16xi32>
      %gather3A_292 = tpu.vector_load_idx %arg11[%shift_right_arithmetic3A_291] : memref<10000xf32, #tpu.memory_space<vmem>>[vector<16xi32>], vector<16xf32>,
      %gather3A_293 = tpu.vector_load_idx %arg11[%get3A_279] : memref<10000xf32, #tpu.memory_space<vmem>>[vector<16xi32>], vector<16xf32>,
      %mul3A_294 = arith.mulf %gather3A_292, %gather3A_293 : vector<16xf32>
      %mul3A_295 = arith.constant 400 : i32
      %mul3A_296 = arith.muli %scan3A_40, %mul3A_295 : i32
      %add3A_297 = arith.constant 160 : i32
      %add3A_298 = arith.addi %mul3A_296, %add3A_297 : i32
      %swap3A_299 = arith.index_cast %add3A_298 : i32 to index
      %swap3A_300 = tpu.vector_load %arg13[%swap3A_299] {strides = array<i32>} : memref<20000xf32, #tpu.memory_space<vmem>>, vector<16xf32>,
      tpu.vector_store %arg13[%swap3A_299], %mul3A_294 {strides = array<i32>} : memref<20000xf32, #tpu.memory_space<vmem>>, vector<16xf32>,
      %get3A_301 = arith.index_cast %scan3A_40 : i32 to index
      %get3A_302 = arith.constant 176 : index
      %get3A_303 = tpu.vector_load %arg12[%get3A_301, %get3A_302] {strides = array<i32>} : memref<50x400xi32, #tpu.memory_space<vmem>>, vector<16xi32>,
      %mul3A_304 = arith.constant 20000 : i32
      %mul3A_305 = arith.muli %add3A, %mul3A_304 : i32
      %mul3A_306 = arith.constant 400 : i32
      %mul3A_307 = arith.muli %scan3A_40, %mul3A_306 : i32
      %add3A_308 = arith.addi %mul3A_305, %mul3A_307 : i32
      %add3A_309 = arith.constant 176 : i32
      %add3A_310 = arith.addi %add3A_308, %add3A_309 : i32
      %add3A_311 = vector.broadcast %add3A_310 : i32 to vector<16xi32>
      %add3A_312 = arith.addi %iota3A, %add3A_311 : vector<16xi32>
      %shift_right_arithmetic3A_313 = arith.constant 6 : i32
      %shift_right_arithmetic3A_314 = vector.broadcast %shift_right_arithmetic3A_313 : i32 to vector<16xi32>
      %shift_right_arithmetic3A_315 = arith.shrsi %add3A_312, %shift_right_arithmetic3A_314 : vector<16xi32>
      %gather3A_316 = tpu.vector_load_idx %arg11[%shift_right_arithmetic3A_315] : memref<10000xf32, #tpu.memory_space<vmem>>[vector<16xi32>], vector<16xf32>,
      %gather3A_317 = tpu.vector_load_idx %arg11[%get3A_303] : memref<10000xf32, #tpu.memory_space<vmem>>[vector<16xi32>], vector<16xf32>,
      %mul3A_318 = arith.mulf %gather3A_316, %gather3A_317 : vector<16xf32>
      %mul3A_319 = arith.constant 400 : i32
      %mul3A_320 = arith.muli %scan3A_40, %mul3A_319 : i32
      %add3A_321 = arith.constant 176 : i32
      %add3A_322 = arith.addi %mul3A_320, %add3A_321 : i32
      %swap3A_323 = arith.index_cast %add3A_322 : i32 to index
      %swap3A_324 = tpu.vector_load %arg13[%swap3A_323] {strides = array<i32>} : memref<20000xf32, #tpu.memory_space<vmem>>, vector<16xf32>,
      tpu.vector_store %arg13[%swap3A_323], %mul3A_318 {strides = array<i32>} : memref<20000xf32, #tpu.memory_space<vmem>>, vector<16xf32>,
      %get3A_325 = arith.index_cast %scan3A_40 : i32 to index
      %get3A_326 = arith.constant 192 : index
      %get3A_327 = tpu.vector_load %arg12[%get3A_325, %get3A_326] {strides = array<i32>} : memref<50x400xi32, #tpu.memory_space<vmem>>, vector<16xi32>,
      %mul3A_328 = arith.constant 20000 : i32
      %mul3A_329 = arith.muli %add3A, %mul3A_328 : i32
      %mul3A_330 = arith.constant 400 : i32
      %mul3A_331 = arith.muli %scan3A_40, %mul3A_330 : i32
      %add3A_332 = arith.addi %mul3A_329, %mul3A_331 : i32
      %add3A_333 = arith.constant 192 : i32
      %add3A_334 = arith.addi %add3A_332, %add3A_333 : i32
      %add3A_335 = vector.broadcast %add3A_334 : i32 to vector<16xi32>
      %add3A_336 = arith.addi %iota3A, %add3A_335 : vector<16xi32>
      %shift_right_arithmetic3A_337 = arith.constant 6 : i32
      %shift_right_arithmetic3A_338 = vector.broadcast %shift_right_arithmetic3A_337 : i32 to vector<16xi32>
      %shift_right_arithmetic3A_339 = arith.shrsi %add3A_336, %shift_right_arithmetic3A_338 : vector<16xi32>
      %gather3A_340 = tpu.vector_load_idx %arg11[%shift_right_arithmetic3A_339] : memref<10000xf32, #tpu.memory_space<vmem>>[vector<16xi32>], vector<16xf32>,
      %gather3A_341 = tpu.vector_load_idx %arg11[%get3A_327] : memref<10000xf32, #tpu.memory_space<vmem>>[vector<16xi32>], vector<16xf32>,
      %mul3A_342 = arith.mulf %gather3A_340, %gather3A_341 : vector<16xf32>
      %mul3A_343 = arith.constant 400 : i32
      %mul3A_344 = arith.muli %scan3A_40, %mul3A_343 : i32
      %add3A_345 = arith.constant 192 : i32
      %add3A_346 = arith.addi %mul3A_344, %add3A_345 : i32
      %swap3A_347 = arith.index_cast %add3A_346 : i32 to index
      %swap3A_348 = tpu.vector_load %arg13[%swap3A_347] {strides = array<i32>} : memref<20000xf32, #tpu.memory_space<vmem>>, vector<16xf32>,
      tpu.vector_store %arg13[%swap3A_347], %mul3A_342 {strides = array<i32>} : memref<20000xf32, #tpu.memory_space<vmem>>, vector<16xf32>,
      %get3A_349 = arith.index_cast %scan3A_40 : i32 to index
      %get3A_350 = arith.constant 208 : index
      %get3A_351 = tpu.vector_load %arg12[%get3A_349, %get3A_350] {strides = array<i32>} : memref<50x400xi32, #tpu.memory_space<vmem>>, vector<16xi32>,
      %mul3A_352 = arith.constant 20000 : i32
      %mul3A_353 = arith.muli %add3A, %mul3A_352 : i32
      %mul3A_354 = arith.constant 400 : i32
      %mul3A_355 = arith.muli %scan3A_40, %mul3A_354 : i32
      %add3A_356 = arith.addi %mul3A_353, %mul3A_355 : i32
      %add3A_357 = arith.constant 208 : i32
      %add3A_358 = arith.addi %add3A_356, %add3A_357 : i32
      %add3A_359 = vector.broadcast %add3A_358 : i32 to vector<16xi32>
      %add3A_360 = arith.addi %iota3A, %add3A_359 : vector<16xi32>
      %shift_right_arithmetic3A_361 = arith.constant 6 : i32
      %shift_right_arithmetic3A_362 = vector.broadcast %shift_right_arithmetic3A_361 : i32 to vector<16xi32>
      %shift_right_arithmetic3A_363 = arith.shrsi %add3A_360, %shift_right_arithmetic3A_362 : vector<16xi32>
      %gather3A_364 = tpu.vector_load_idx %arg11[%shift_right_arithmetic3A_363] : memref<10000xf32, #tpu.memory_space<vmem>>[vector<16xi32>], vector<16xf32>,
      %gather3A_365 = tpu.vector_load_idx %arg11[%get3A_351] : memref<10000xf32, #tpu.memory_space<vmem>>[vector<16xi32>], vector<16xf32>,
      %mul3A_366 = arith.mulf %gather3A_364, %gather3A_365 : vector<16xf32>
      %mul3A_367 = arith.constant 400 : i32
      %mul3A_368 = arith.muli %scan3A_40, %mul3A_367 : i32
      %add3A_369 = arith.constant 208 : i32
      %add3A_370 = arith.addi %mul3A_368, %add3A_369 : i32
      %swap3A_371 = arith.index_cast %add3A_370 : i32 to index
      %swap3A_372 = tpu.vector_load %arg13[%swap3A_371] {strides = array<i32>} : memref<20000xf32, #tpu.memory_space<vmem>>, vector<16xf32>,
      tpu.vector_store %arg13[%swap3A_371], %mul3A_366 {strides = array<i32>} : memref<20000xf32, #tpu.memory_space<vmem>>, vector<16xf32>,
      %get3A_373 = arith.index_cast %scan3A_40 : i32 to index
      %get3A_374 = arith.constant 224 : index
      %get3A_375 = tpu.vector_load %arg12[%get3A_373, %get3A_374] {strides = array<i32>} : memref<50x400xi32, #tpu.memory_space<vmem>>, vector<16xi32>,
      %mul3A_376 = arith.constant 20000 : i32
      %mul3A_377 = arith.muli %add3A, %mul3A_376 : i32
      %mul3A_378 = arith.constant 400 : i32
      %mul3A_379 = arith.muli %scan3A_40, %mul3A_378 : i32
      %add3A_380 = arith.addi %mul3A_377, %mul3A_379 : i32
      %add3A_381 = arith.constant 224 : i32
      %add3A_382 = arith.addi %add3A_380, %add3A_381 : i32
      %add3A_383 = vector.broadcast %add3A_382 : i32 to vector<16xi32>
      %add3A_384 = arith.addi %iota3A, %add3A_383 : vector<16xi32>
      %shift_right_arithmetic3A_385 = arith.constant 6 : i32
      %shift_right_arithmetic3A_386 = vector.broadcast %shift_right_arithmetic3A_385 : i32 to vector<16xi32>
      %shift_right_arithmetic3A_387 = arith.shrsi %add3A_384, %shift_right_arithmetic3A_386 : vector<16xi32>
      %gather3A_388 = tpu.vector_load_idx %arg11[%shift_right_arithmetic3A_387] : memref<10000xf32, #tpu.memory_space<vmem>>[vector<16xi32>], vector<16xf32>,
      %gather3A_389 = tpu.vector_load_idx %arg11[%get3A_375] : memref<10000xf32, #tpu.memory_space<vmem>>[vector<16xi32>], vector<16xf32>,
      %mul3A_390 = arith.mulf %gather3A_388, %gather3A_389 : vector<16xf32>
      %mul3A_391 = arith.constant 400 : i32
      %mul3A_392 = arith.muli %scan3A_40, %mul3A_391 : i32
      %add3A_393 = arith.constant 224 : i32
      %add3A_394 = arith.addi %mul3A_392, %add3A_393 : i32
      %swap3A_395 = arith.index_cast %add3A_394 : i32 to index
      %swap3A_396 = tpu.vector_load %arg13[%swap3A_395] {strides = array<i32>} : memref<20000xf32, #tpu.memory_space<vmem>>, vector<16xf32>,
      tpu.vector_store %arg13[%swap3A_395], %mul3A_390 {strides = array<i32>} : memref<20000xf32, #tpu.memory_space<vmem>>, vector<16xf32>,
      %get3A_397 = arith.index_cast %scan3A_40 : i32 to index
      %get3A_398 = arith.constant 240 : index
      %get3A_399 = tpu.vector_load %arg12[%get3A_397, %get3A_398] {strides = array<i32>} : memref<50x400xi32, #tpu.memory_space<vmem>>, vector<16xi32>,
      %mul3A_400 = arith.constant 20000 : i32
      %mul3A_401 = arith.muli %add3A, %mul3A_400 : i32
      %mul3A_402 = arith.constant 400 : i32
      %mul3A_403 = arith.muli %scan3A_40, %mul3A_402 : i32
      %add3A_404 = arith.addi %mul3A_401, %mul3A_403 : i32
      %add3A_405 = arith.constant 240 : i32
      %add3A_406 = arith.addi %add3A_404, %add3A_405 : i32
      %add3A_407 = vector.broadcast %add3A_406 : i32 to vector<16xi32>
      %add3A_408 = arith.addi %iota3A, %add3A_407 : vector<16xi32>
      %shift_right_arithmetic3A_409 = arith.constant 6 : i32
      %shift_right_arithmetic3A_410 = vector.broadcast %shift_right_arithmetic3A_409 : i32 to vector<16xi32>
      %shift_right_arithmetic3A_411 = arith.shrsi %add3A_408, %shift_right_arithmetic3A_410 : vector<16xi32>
      %gather3A_412 = tpu.vector_load_idx %arg11[%shift_right_arithmetic3A_411] : memref<10000xf32, #tpu.memory_space<vmem>>[vector<16xi32>], vector<16xf32>,
      %gather3A_413 = tpu.vector_load_idx %arg11[%get3A_399] : memref<10000xf32, #tpu.memory_space<vmem>>[vector<16xi32>], vector<16xf32>,
      %mul3A_414 = arith.mulf %gather3A_412, %gather3A_413 : vector<16xf32>
      %mul3A_415 = arith.constant 400 : i32
      %mul3A_416 = arith.muli %scan3A_40, %mul3A_415 : i32
      %add3A_417 = arith.constant 240 : i32
      %add3A_418 = arith.addi %mul3A_416, %add3A_417 : i32
      %swap3A_419 = arith.index_cast %add3A_418 : i32 to index
      %swap3A_420 = tpu.vector_load %arg13[%swap3A_419] {strides = array<i32>} : memref<20000xf32, #tpu.memory_space<vmem>>, vector<16xf32>,
      tpu.vector_store %arg13[%swap3A_419], %mul3A_414 {strides = array<i32>} : memref<20000xf32, #tpu.memory_space<vmem>>, vector<16xf32>,
      %get3A_421 = arith.index_cast %scan3A_40 : i32 to index
      %get3A_422 = arith.constant 256 : index
      %get3A_423 = tpu.vector_load %arg12[%get3A_421, %get3A_422] {strides = array<i32>} : memref<50x400xi32, #tpu.memory_space<vmem>>, vector<16xi32>,
      %mul3A_424 = arith.constant 20000 : i32
      %mul3A_425 = arith.muli %add3A, %mul3A_424 : i32
      %mul3A_426 = arith.constant 400 : i32
      %mul3A_427 = arith.muli %scan3A_40, %mul3A_426 : i32
      %add3A_428 = arith.addi %mul3A_425, %mul3A_427 : i32
      %add3A_429 = arith.constant 256 : i32
      %add3A_430 = arith.addi %add3A_428, %add3A_429 : i32
      %add3A_431 = vector.broadcast %add3A_430 : i32 to vector<16xi32>
      %add3A_432 = arith.addi %iota3A, %add3A_431 : vector<16xi32>
      %shift_right_arithmetic3A_433 = arith.constant 6 : i32
      %shift_right_arithmetic3A_434 = vector.broadcast %shift_right_arithmetic3A_433 : i32 to vector<16xi32>
      %shift_right_arithmetic3A_435 = arith.shrsi %add3A_432, %shift_right_arithmetic3A_434 : vector<16xi32>
      %gather3A_436 = tpu.vector_load_idx %arg11[%shift_right_arithmetic3A_435] : memref<10000xf32, #tpu.memory_space<vmem>>[vector<16xi32>], vector<16xf32>,
      %gather3A_437 = tpu.vector_load_idx %arg11[%get3A_423] : memref<10000xf32, #tpu.memory_space<vmem>>[vector<16xi32>], vector<16xf32>,
      %mul3A_438 = arith.mulf %gather3A_436, %gather3A_437 : vector<16xf32>
      %mul3A_439 = arith.constant 400 : i32
      %mul3A_440 = arith.muli %scan3A_40, %mul3A_439 : i32
      %add3A_441 = arith.constant 256 : i32
      %add3A_442 = arith.addi %mul3A_440, %add3A_441 : i32
      %swap3A_443 = arith.index_cast %add3A_442 : i32 to index
      %swap3A_444 = tpu.vector_load %arg13[%swap3A_443] {strides = array<i32>} : memref<20000xf32, #tpu.memory_space<vmem>>, vector<16xf32>,
      tpu.vector_store %arg13[%swap3A_443], %mul3A_438 {strides = array<i32>} : memref<20000xf32, #tpu.memory_space<vmem>>, vector<16xf32>,
      %get3A_445 = arith.index_cast %scan3A_40 : i32 to index
      %get3A_446 = arith.constant 272 : index
      %get3A_447 = tpu.vector_load %arg12[%get3A_445, %get3A_446] {strides = array<i32>} : memref<50x400xi32, #tpu.memory_space<vmem>>, vector<16xi32>,
      %mul3A_448 = arith.constant 20000 : i32
      %mul3A_449 = arith.muli %add3A, %mul3A_448 : i32
      %mul3A_450 = arith.constant 400 : i32
      %mul3A_451 = arith.muli %scan3A_40, %mul3A_450 : i32
      %add3A_452 = arith.addi %mul3A_449, %mul3A_451 : i32
      %add3A_453 = arith.constant 272 : i32
      %add3A_454 = arith.addi %add3A_452, %add3A_453 : i32
      %add3A_455 = vector.broadcast %add3A_454 : i32 to vector<16xi32>
      %add3A_456 = arith.addi %iota3A, %add3A_455 : vector<16xi32>
      %shift_right_arithmetic3A_457 = arith.constant 6 : i32
      %shift_right_arithmetic3A_458 = vector.broadcast %shift_right_arithmetic3A_457 : i32 to vector<16xi32>
      %shift_right_arithmetic3A_459 = arith.shrsi %add3A_456, %shift_right_arithmetic3A_458 : vector<16xi32>
      %gather3A_460 = tpu.vector_load_idx %arg11[%shift_right_arithmetic3A_459] : memref<10000xf32, #tpu.memory_space<vmem>>[vector<16xi32>], vector<16xf32>,
      %gather3A_461 = tpu.vector_load_idx %arg11[%get3A_447] : memref<10000xf32, #tpu.memory_space<vmem>>[vector<16xi32>], vector<16xf32>,
      %mul3A_462 = arith.mulf %gather3A_460, %gather3A_461 : vector<16xf32>
      %mul3A_463 = arith.constant 400 : i32
      %mul3A_464 = arith.muli %scan3A_40, %mul3A_463 : i32
      %add3A_465 = arith.constant 272 : i32
      %add3A_466 = arith.addi %mul3A_464, %add3A_465 : i32
      %swap3A_467 = arith.index_cast %add3A_466 : i32 to index
      %swap3A_468 = tpu.vector_load %arg13[%swap3A_467] {strides = array<i32>} : memref<20000xf32, #tpu.memory_space<vmem>>, vector<16xf32>,
      tpu.vector_store %arg13[%swap3A_467], %mul3A_462 {strides = array<i32>} : memref<20000xf32, #tpu.memory_space<vmem>>, vector<16xf32>,
      %get3A_469 = arith.index_cast %scan3A_40 : i32 to index
      %get3A_470 = arith.constant 288 : index
      %get3A_471 = tpu.vector_load %arg12[%get3A_469, %get3A_470] {strides = array<i32>} : memref<50x400xi32, #tpu.memory_space<vmem>>, vector<16xi32>,
      %mul3A_472 = arith.constant 20000 : i32
      %mul3A_473 = arith.muli %add3A, %mul3A_472 : i32
      %mul3A_474 = arith.constant 400 : i32
      %mul3A_475 = arith.muli %scan3A_40, %mul3A_474 : i32
      %add3A_476 = arith.addi %mul3A_473, %mul3A_475 : i32
      %add3A_477 = arith.constant 288 : i32
      %add3A_478 = arith.addi %add3A_476, %add3A_477 : i32
      %add3A_479 = vector.broadcast %add3A_478 : i32 to vector<16xi32>
      %add3A_480 = arith.addi %iota3A, %add3A_479 : vector<16xi32>
      %shift_right_arithmetic3A_481 = arith.constant 6 : i32
      %shift_right_arithmetic3A_482 = vector.broadcast %shift_right_arithmetic3A_481 : i32 to vector<16xi32>
      %shift_right_arithmetic3A_483 = arith.shrsi %add3A_480, %shift_right_arithmetic3A_482 : vector<16xi32>
      %gather3A_484 = tpu.vector_load_idx %arg11[%shift_right_arithmetic3A_483] : memref<10000xf32, #tpu.memory_space<vmem>>[vector<16xi32>], vector<16xf32>,
      %gather3A_485 = tpu.vector_load_idx %arg11[%get3A_471] : memref<10000xf32, #tpu.memory_space<vmem>>[vector<16xi32>], vector<16xf32>,
      %mul3A_486 = arith.mulf %gather3A_484, %gather3A_485 : vector<16xf32>
      %mul3A_487 = arith.constant 400 : i32
      %mul3A_488 = arith.muli %scan3A_40, %mul3A_487 : i32
      %add3A_489 = arith.constant 288 : i32
      %add3A_490 = arith.addi %mul3A_488, %add3A_489 : i32
      %swap3A_491 = arith.index_cast %add3A_490 : i32 to index
      %swap3A_492 = tpu.vector_load %arg13[%swap3A_491] {strides = array<i32>} : memref<20000xf32, #tpu.memory_space<vmem>>, vector<16xf32>,
      tpu.vector_store %arg13[%swap3A_491], %mul3A_486 {strides = array<i32>} : memref<20000xf32, #tpu.memory_space<vmem>>, vector<16xf32>,
      %get3A_493 = arith.index_cast %scan3A_40 : i32 to index
      %get3A_494 = arith.constant 304 : index
      %get3A_495 = tpu.vector_load %arg12[%get3A_493, %get3A_494] {strides = array<i32>} : memref<50x400xi32, #tpu.memory_space<vmem>>, vector<16xi32>,
      %mul3A_496 = arith.constant 20000 : i32
      %mul3A_497 = arith.muli %add3A, %mul3A_496 : i32
      %mul3A_498 = arith.constant 400 : i32
      %mul3A_499 = arith.muli %scan3A_40, %mul3A_498 : i32
      %add3A_500 = arith.addi %mul3A_497, %mul3A_499 : i32
      %add3A_501 = arith.constant 304 : i32
      %add3A_502 = arith.addi %add3A_500, %add3A_501 : i32
      %add3A_503 = vector.broadcast %add3A_502 : i32 to vector<16xi32>
      %add3A_504 = arith.addi %iota3A, %add3A_503 : vector<16xi32>
      %shift_right_arithmetic3A_505 = arith.constant 6 : i32
      %shift_right_arithmetic3A_506 = vector.broadcast %shift_right_arithmetic3A_505 : i32 to vector<16xi32>
      %shift_right_arithmetic3A_507 = arith.shrsi %add3A_504, %shift_right_arithmetic3A_506 : vector<16xi32>
      %gather3A_508 = tpu.vector_load_idx %arg11[%shift_right_arithmetic3A_507] : memref<10000xf32, #tpu.memory_space<vmem>>[vector<16xi32>], vector<16xf32>,
      %gather3A_509 = tpu.vector_load_idx %arg11[%get3A_495] : memref<10000xf32, #tpu.memory_space<vmem>>[vector<16xi32>], vector<16xf32>,
      %mul3A_510 = arith.mulf %gather3A_508, %gather3A_509 : vector<16xf32>
      %mul3A_511 = arith.constant 400 : i32
      %mul3A_512 = arith.muli %scan3A_40, %mul3A_511 : i32
      %add3A_513 = arith.constant 304 : i32
      %add3A_514 = arith.addi %mul3A_512, %add3A_513 : i32
      %swap3A_515 = arith.index_cast %add3A_514 : i32 to index
      %swap3A_516 = tpu.vector_load %arg13[%swap3A_515] {strides = array<i32>} : memref<20000xf32, #tpu.memory_space<vmem>>, vector<16xf32>,
      tpu.vector_store %arg13[%swap3A_515], %mul3A_510 {strides = array<i32>} : memref<20000xf32, #tpu.memory_space<vmem>>, vector<16xf32>,
      %get3A_517 = arith.index_cast %scan3A_40 : i32 to index
      %get3A_518 = arith.constant 320 : index
      %get3A_519 = tpu.vector_load %arg12[%get3A_517, %get3A_518] {strides = array<i32>} : memref<50x400xi32, #tpu.memory_space<vmem>>, vector<16xi32>,
      %mul3A_520 = arith.constant 20000 : i32
      %mul3A_521 = arith.muli %add3A, %mul3A_520 : i32
      %mul3A_522 = arith.constant 400 : i32
      %mul3A_523 = arith.muli %scan3A_40, %mul3A_522 : i32
      %add3A_524 = arith.addi %mul3A_521, %mul3A_523 : i32
      %add3A_525 = arith.constant 320 : i32
      %add3A_526 = arith.addi %add3A_524, %add3A_525 : i32
      %add3A_527 = vector.broadcast %add3A_526 : i32 to vector<16xi32>
      %add3A_528 = arith.addi %iota3A, %add3A_527 : vector<16xi32>
      %shift_right_arithmetic3A_529 = arith.constant 6 : i32
      %shift_right_arithmetic3A_530 = vector.broadcast %shift_right_arithmetic3A_529 : i32 to vector<16xi32>
      %shift_right_arithmetic3A_531 = arith.shrsi %add3A_528, %shift_right_arithmetic3A_530 : vector<16xi32>
      %gather3A_532 = tpu.vector_load_idx %arg11[%shift_right_arithmetic3A_531] : memref<10000xf32, #tpu.memory_space<vmem>>[vector<16xi32>], vector<16xf32>,
      %gather3A_533 = tpu.vector_load_idx %arg11[%get3A_519] : memref<10000xf32, #tpu.memory_space<vmem>>[vector<16xi32>], vector<16xf32>,
      %mul3A_534 = arith.mulf %gather3A_532, %gather3A_533 : vector<16xf32>
      %mul3A_535 = arith.constant 400 : i32
      %mul3A_536 = arith.muli %scan3A_40, %mul3A_535 : i32
      %add3A_537 = arith.constant 320 : i32
      %add3A_538 = arith.addi %mul3A_536, %add3A_537 : i32
      %swap3A_539 = arith.index_cast %add3A_538 : i32 to index
      %swap3A_540 = tpu.vector_load %arg13[%swap3A_539] {strides = array<i32>} : memref<20000xf32, #tpu.memory_space<vmem>>, vector<16xf32>,
      tpu.vector_store %arg13[%swap3A_539], %mul3A_534 {strides = array<i32>} : memref<20000xf32, #tpu.memory_space<vmem>>, vector<16xf32>,
      %get3A_541 = arith.index_cast %scan3A_40 : i32 to index
      %get3A_542 = arith.constant 336 : index
      %get3A_543 = tpu.vector_load %arg12[%get3A_541, %get3A_542] {strides = array<i32>} : memref<50x400xi32, #tpu.memory_space<vmem>>, vector<16xi32>,
      %mul3A_544 = arith.constant 20000 : i32
      %mul3A_545 = arith.muli %add3A, %mul3A_544 : i32
      %mul3A_546 = arith.constant 400 : i32
      %mul3A_547 = arith.muli %scan3A_40, %mul3A_546 : i32
      %add3A_548 = arith.addi %mul3A_545, %mul3A_547 : i32
      %add3A_549 = arith.constant 336 : i32
      %add3A_550 = arith.addi %add3A_548, %add3A_549 : i32
      %add3A_551 = vector.broadcast %add3A_550 : i32 to vector<16xi32>
      %add3A_552 = arith.addi %iota3A, %add3A_551 : vector<16xi32>
      %shift_right_arithmetic3A_553 = arith.constant 6 : i32
      %shift_right_arithmetic3A_554 = vector.broadcast %shift_right_arithmetic3A_553 : i32 to vector<16xi32>
      %shift_right_arithmetic3A_555 = arith.shrsi %add3A_552, %shift_right_arithmetic3A_554 : vector<16xi32>
      %gather3A_556 = tpu.vector_load_idx %arg11[%shift_right_arithmetic3A_555] : memref<10000xf32, #tpu.memory_space<vmem>>[vector<16xi32>], vector<16xf32>,
      %gather3A_557 = tpu.vector_load_idx %arg11[%get3A_543] : memref<10000xf32, #tpu.memory_space<vmem>>[vector<16xi32>], vector<16xf32>,
      %mul3A_558 = arith.mulf %gather3A_556, %gather3A_557 : vector<16xf32>
      %mul3A_559 = arith.constant 400 : i32
      %mul3A_560 = arith.muli %scan3A_40, %mul3A_559 : i32
      %add3A_561 = arith.constant 336 : i32
      %add3A_562 = arith.addi %mul3A_560, %add3A_561 : i32
      %swap3A_563 = arith.index_cast %add3A_562 : i32 to index
      %swap3A_564 = tpu.vector_load %arg13[%swap3A_563] {strides = array<i32>} : memref<20000xf32, #tpu.memory_space<vmem>>, vector<16xf32>,
      tpu.vector_store %arg13[%swap3A_563], %mul3A_558 {strides = array<i32>} : memref<20000xf32, #tpu.memory_space<vmem>>, vector<16xf32>,
      %get3A_565 = arith.index_cast %scan3A_40 : i32 to index
      %get3A_566 = arith.constant 352 : index
      %get3A_567 = tpu.vector_load %arg12[%get3A_565, %get3A_566] {strides = array<i32>} : memref<50x400xi32, #tpu.memory_space<vmem>>, vector<16xi32>,
      %mul3A_568 = arith.constant 20000 : i32
      %mul3A_569 = arith.muli %add3A, %mul3A_568 : i32
      %mul3A_570 = arith.constant 400 : i32
      %mul3A_571 = arith.muli %scan3A_40, %mul3A_570 : i32
      %add3A_572 = arith.addi %mul3A_569, %mul3A_571 : i32
      %add3A_573 = arith.constant 352 : i32
      %add3A_574 = arith.addi %add3A_572, %add3A_573 : i32
      %add3A_575 = vector.broadcast %add3A_574 : i32 to vector<16xi32>
      %add3A_576 = arith.addi %iota3A, %add3A_575 : vector<16xi32>
      %shift_right_arithmetic3A_577 = arith.constant 6 : i32
      %shift_right_arithmetic3A_578 = vector.broadcast %shift_right_arithmetic3A_577 : i32 to vector<16xi32>
      %shift_right_arithmetic3A_579 = arith.shrsi %add3A_576, %shift_right_arithmetic3A_578 : vector<16xi32>
      %gather3A_580 = tpu.vector_load_idx %arg11[%shift_right_arithmetic3A_579] : memref<10000xf32, #tpu.memory_space<vmem>>[vector<16xi32>], vector<16xf32>,
      %gather3A_581 = tpu.vector_load_idx %arg11[%get3A_567] : memref<10000xf32, #tpu.memory_space<vmem>>[vector<16xi32>], vector<16xf32>,
      %mul3A_582 = arith.mulf %gather3A_580, %gather3A_581 : vector<16xf32>
      %mul3A_583 = arith.constant 400 : i32
      %mul3A_584 = arith.muli %scan3A_40, %mul3A_583 : i32
      %add3A_585 = arith.constant 352 : i32
      %add3A_586 = arith.addi %mul3A_584, %add3A_585 : i32
      %swap3A_587 = arith.index_cast %add3A_586 : i32 to index
      %swap3A_588 = tpu.vector_load %arg13[%swap3A_587] {strides = array<i32>} : memref<20000xf32, #tpu.memory_space<vmem>>, vector<16xf32>,
      tpu.vector_store %arg13[%swap3A_587], %mul3A_582 {strides = array<i32>} : memref<20000xf32, #tpu.memory_space<vmem>>, vector<16xf32>,
      %get3A_589 = arith.index_cast %scan3A_40 : i32 to index
      %get3A_590 = arith.constant 368 : index
      %get3A_591 = tpu.vector_load %arg12[%get3A_589, %get3A_590] {strides = array<i32>} : memref<50x400xi32, #tpu.memory_space<vmem>>, vector<16xi32>,
      %mul3A_592 = arith.constant 20000 : i32
      %mul3A_593 = arith.muli %add3A, %mul3A_592 : i32
      %mul3A_594 = arith.constant 400 : i32
      %mul3A_595 = arith.muli %scan3A_40, %mul3A_594 : i32
      %add3A_596 = arith.addi %mul3A_593, %mul3A_595 : i32
      %add3A_597 = arith.constant 368 : i32
      %add3A_598 = arith.addi %add3A_596, %add3A_597 : i32
      %add3A_599 = vector.broadcast %add3A_598 : i32 to vector<16xi32>
      %add3A_600 = arith.addi %iota3A, %add3A_599 : vector<16xi32>
      %shift_right_arithmetic3A_601 = arith.constant 6 : i32
      %shift_right_arithmetic3A_602 = vector.broadcast %shift_right_arithmetic3A_601 : i32 to vector<16xi32>
      %shift_right_arithmetic3A_603 = arith.shrsi %add3A_600, %shift_right_arithmetic3A_602 : vector<16xi32>
      %gather3A_604 = tpu.vector_load_idx %arg11[%shift_right_arithmetic3A_603] : memref<10000xf32, #tpu.memory_space<vmem>>[vector<16xi32>], vector<16xf32>,
      %gather3A_605 = tpu.vector_load_idx %arg11[%get3A_591] : memref<10000xf32, #tpu.memory_space<vmem>>[vector<16xi32>], vector<16xf32>,
      %mul3A_606 = arith.mulf %gather3A_604, %gather3A_605 : vector<16xf32>
      %mul3A_607 = arith.constant 400 : i32
      %mul3A_608 = arith.muli %scan3A_40, %mul3A_607 : i32
      %add3A_609 = arith.constant 368 : i32
      %add3A_610 = arith.addi %mul3A_608, %add3A_609 : i32
      %swap3A_611 = arith.index_cast %add3A_610 : i32 to index
      %swap3A_612 = tpu.vector_load %arg13[%swap3A_611] {strides = array<i32>} : memref<20000xf32, #tpu.memory_space<vmem>>, vector<16xf32>,
      tpu.vector_store %arg13[%swap3A_611], %mul3A_606 {strides = array<i32>} : memref<20000xf32, #tpu.memory_space<vmem>>, vector<16xf32>,
      %get3A_613 = arith.index_cast %scan3A_40 : i32 to index
      %get3A_614 = arith.constant 384 : index
      %get3A_615 = tpu.vector_load %arg12[%get3A_613, %get3A_614] {strides = array<i32>} : memref<50x400xi32, #tpu.memory_space<vmem>>, vector<16xi32>,
      %mul3A_616 = arith.constant 20000 : i32
      %mul3A_617 = arith.muli %add3A, %mul3A_616 : i32
      %mul3A_618 = arith.constant 400 : i32
      %mul3A_619 = arith.muli %scan3A_40, %mul3A_618 : i32
      %add3A_620 = arith.addi %mul3A_617, %mul3A_619 : i32
      %add3A_621 = arith.constant 384 : i32
      %add3A_622 = arith.addi %add3A_620, %add3A_621 : i32
      %add3A_623 = vector.broadcast %add3A_622 : i32 to vector<16xi32>
      %add3A_624 = arith.addi %iota3A, %add3A_623 : vector<16xi32>
      %shift_right_arithmetic3A_625 = arith.constant 6 : i32
      %shift_right_arithmetic3A_626 = vector.broadcast %shift_right_arithmetic3A_625 : i32 to vector<16xi32>
      %shift_right_arithmetic3A_627 = arith.shrsi %add3A_624, %shift_right_arithmetic3A_626 : vector<16xi32>
      %gather3A_628 = tpu.vector_load_idx %arg11[%shift_right_arithmetic3A_627] : memref<10000xf32, #tpu.memory_space<vmem>>[vector<16xi32>], vector<16xf32>,
      %gather3A_629 = tpu.vector_load_idx %arg11[%get3A_615] : memref<10000xf32, #tpu.memory_space<vmem>>[vector<16xi32>], vector<16xf32>,
      %mul3A_630 = arith.mulf %gather3A_628, %gather3A_629 : vector<16xf32>
      %mul3A_631 = arith.constant 400 : i32
      %mul3A_632 = arith.muli %scan3A_40, %mul3A_631 : i32
      %add3A_633 = arith.constant 384 : i32
      %add3A_634 = arith.addi %mul3A_632, %add3A_633 : i32
      %swap3A_635 = arith.index_cast %add3A_634 : i32 to index
      %swap3A_636 = tpu.vector_load %arg13[%swap3A_635] {strides = array<i32>} : memref<20000xf32, #tpu.memory_space<vmem>>, vector<16xf32>,
      tpu.vector_store %arg13[%swap3A_635], %mul3A_630 {strides = array<i32>} : memref<20000xf32, #tpu.memory_space<vmem>>, vector<16xf32>,
    }
    %scan3A_5 = arith.constant 50 : i32
    "tpu.region"() ({
      %run_scoped3A = tpu.sem_alloc : memref<!tpu.dma_semaphore, #tpu.memory_space<semaphore_mem>>
      %dma_start3A_40 = arith.constant 0 : i32
      %dma_start3A_41 = tpu.memref_slice %arg6[%add3A, %dma_start3A_40] : memref<32x20000xf32, #tpu.memory_space<hbm>> -> memref<1x20000xf32, #tpu.memory_space<hbm>>
      %dma_start3A_42 = tpu.memref_squeeze %dma_start3A_41 : memref<1x20000xf32, #tpu.memory_space<hbm>> -> memref<20000xf32, #tpu.memory_space<hbm>>
      %dma_start3A_43 = arith.constant 0 : i32
      %dma_start3A_44 = tpu.memref_slice %arg6[%add3A, %dma_start3A_43] : memref<32x20000xf32, #tpu.memory_space<hbm>> -> memref<1x20000xf32, #tpu.memory_space<hbm>>
      %dma_start3A_45 = tpu.memref_squeeze %dma_start3A_44 : memref<1x20000xf32, #tpu.memory_space<hbm>> -> memref<20000xf32, #tpu.memory_space<hbm>>
      tpu.enqueue_dma source(%arg13 : memref<20000xf32, #tpu.memory_space<vmem>>) target(%dma_start3A_45 : memref<20000xf32, #tpu.memory_space<hbm>>) target_semaphore(%run_scoped3A : memref<!tpu.dma_semaphore, #tpu.memory_space<semaphore_mem>>)
      %dma_wait3A_46 = arith.constant 0 : i32
      %dma_wait3A_47 = tpu.memref_slice %arg6[%add3A, %dma_wait3A_46] : memref<32x20000xf32, #tpu.memory_space<hbm>> -> memref<1x20000xf32, #tpu.memory_space<hbm>>
      %dma_wait3A_48 = tpu.memref_squeeze %dma_wait3A_47 : memref<1x20000xf32, #tpu.memory_space<hbm>> -> memref<20000xf32, #tpu.memory_space<hbm>>
      %dma_wait3A_49 = arith.constant 0 : i32
      %dma_wait3A_50 = tpu.memref_slice %arg6[%add3A, %dma_wait3A_49] : memref<32x20000xf32, #tpu.memory_space<hbm>> -> memref<1x20000xf32, #tpu.memory_space<hbm>>
      %dma_wait3A_51 = tpu.memref_squeeze %dma_wait3A_50 : memref<1x20000xf32, #tpu.memory_space<hbm>> -> memref<20000xf32, #tpu.memory_space<hbm>>
      tpu.wait_dma2 semaphore(%run_scoped3A : memref<!tpu.dma_semaphore, #tpu.memory_space<semaphore_mem>>) src(%arg13 : memref<20000xf32, #tpu.memory_space<vmem>>) dst(%dma_wait3A_51 : memref<20000xf32, #tpu.memory_space<hbm>>)
      tpu.yield
    }) : () -> ()
    %dma_start3A = arith.constant 0 : i32
    %dma_start3A_6 = arith.constant 0 : i32
    %dma_start3A_7 = tpu.memref_slice %arg4[%add3A, %dma_start3A, %dma_start3A_6] : memref<32x50x400xi32, #tpu.memory_space<hbm>> -> memref<1x1x400xi32, #tpu.memory_space<hbm>>
    %dma_start3A_8 = tpu.memref_squeeze %dma_start3A_7 : memref<1x1x400xi32, #tpu.memory_space<hbm>> -> memref<400xi32, #tpu.memory_space<hbm>>
    %dma_start3A_9 = arith.constant 0 : i32
    %dma_start3A_10 = tpu.memref_slice %arg4[%add3A, %dma_start3A, %dma_start3A_9] : memref<32x50x400xi32, #tpu.memory_space<hbm>> -> memref<1x1x400xi32, #tpu.memory_space<hbm>>
    %dma_start3A_11 = tpu.memref_squeeze %dma_start3A_10 : memref<1x1x400xi32, #tpu.memory_space<hbm>> -> memref<400xi32, #tpu.memory_space<hbm>>
    tpu.enqueue_dma source(%dma_start3A_11 : memref<400xi32, #tpu.memory_space<hbm>>) target(%arg7 : memref<400xi32, #tpu.memory_space<vmem>>) target_semaphore(%arg18 : memref<!tpu.dma_semaphore, #tpu.memory_space<semaphore_mem>>)
    %dma_start3A_12 = arith.constant 1 : i32
    %dma_start3A_13 = arith.constant 0 : i32
    %dma_start3A_14 = tpu.memref_slice %arg4[%add3A, %dma_start3A_12, %dma_start3A_13] : memref<32x50x400xi32, #tpu.memory_space<hbm>> -> memref<1x1x400xi32, #tpu.memory_space<hbm>>
    %dma_start3A_15 = tpu.memref_squeeze %dma_start3A_14 : memref<1x1x400xi32, #tpu.memory_space<hbm>> -> memref<400xi32, #tpu.memory_space<hbm>>
    %dma_start3A_16 = arith.constant 0 : i32
    %dma_start3A_17 = tpu.memref_slice %arg4[%add3A, %dma_start3A_12, %dma_start3A_16] : memref<32x50x400xi32, #tpu.memory_space<hbm>> -> memref<1x1x400xi32, #tpu.memory_space<hbm>>
    %dma_start3A_18 = tpu.memref_squeeze %dma_start3A_17 : memref<1x1x400xi32, #tpu.memory_space<hbm>> -> memref<400xi32, #tpu.memory_space<hbm>>
    tpu.enqueue_dma source(%dma_start3A_18 : memref<400xi32, #tpu.memory_space<hbm>>) target(%arg8 : memref<400xi32, #tpu.memory_space<vmem>>) target_semaphore(%arg19 : memref<!tpu.dma_semaphore, #tpu.memory_space<semaphore_mem>>)
    %scan3A_19 = arith.constant 0 : i32
    %scan3A_20 = arith.constant 0 : i32
    %scan3A_21 = arith.constant 25 : i32
    %scan3A_22 = arith.addi %scan3A_20, %scan3A_21 : i32
    %scan3A_23 = arith.constant 1 : i32
    scf.for %scan3A_40 = %scan3A_20 to %scan3A_22 step %scan3A_23  : i32 {
      %mul3A_41 = arith.constant 2 : i32
      %mul3A_42 = arith.muli %mul3A_41, %scan3A_40 : i32
      %add3A_43 = arith.constant 0 : i32
      %add3A_44 = arith.addi %mul3A_42, %add3A_43 : i32
      %ge3A = arith.constant 2 : i32
      %ge3A_45 = arith.cmpi sge, %add3A_44, %ge3A : i32
      %convert_element_type3A = arith.extui %ge3A_45 : i1 to i32
      %cond3A = arith.constant 0 : i32
      %cond3A_46 = arith.cmpi ne, %convert_element_type3A, %cond3A : i32
      scf.if %cond3A_46 {
        %sub3A = arith.constant 2 : i32
        %sub3A_119 = arith.subi %add3A_44, %sub3A : i32
        %mul3A_120 = arith.constant 20000 : i32
        %mul3A_121 = arith.muli %add3A, %mul3A_120 : i32
        %mul3A_122 = arith.constant 400 : i32
        %mul3A_123 = arith.muli %sub3A_119, %mul3A_122 : i32
        %add3A_124 = arith.addi %mul3A_121, %mul3A_123 : i32
        %dma_wait3A_125 = arith.constant 0 : i32
        %dma_wait3A_126 = tpu.memref_slice %arg5[%add3A_124, %dma_wait3A_125] : memref<640000x128xf32, #tpu.memory_space<hbm>> -> memref<400x48xf32, #tpu.memory_space<hbm>>
        %dma_wait3A_127 = arith.constant 0 : i32
        %dma_wait3A_128 = tpu.memref_slice %arg5[%add3A_124, %dma_wait3A_127] : memref<640000x128xf32, #tpu.memory_space<hbm>> -> memref<400x48xf32, #tpu.memory_space<hbm>>
        tpu.wait_dma2 semaphore(%arg16 : memref<!tpu.dma_semaphore, #tpu.memory_space<semaphore_mem>>) src(%arg9 : memref<400x48xf32, #tpu.memory_space<vmem>>) dst(%dma_wait3A_128 : memref<400x48xf32, #tpu.memory_space<hbm>>)
      } else {
      }
      %dma_wait3A_47 = arith.constant 0 : i32
      %dma_wait3A_48 = tpu.memref_slice %arg4[%add3A, %add3A_44, %dma_wait3A_47] : memref<32x50x400xi32, #tpu.memory_space<hbm>> -> memref<1x1x400xi32, #tpu.memory_space<hbm>>
      %dma_wait3A_49 = tpu.memref_squeeze %dma_wait3A_48 : memref<1x1x400xi32, #tpu.memory_space<hbm>> -> memref<400xi32, #tpu.memory_space<hbm>>
      %dma_wait3A_50 = arith.constant 0 : i32
      %dma_wait3A_51 = tpu.memref_slice %arg4[%add3A, %add3A_44, %dma_wait3A_50] : memref<32x50x400xi32, #tpu.memory_space<hbm>> -> memref<1x1x400xi32, #tpu.memory_space<hbm>>
      %dma_wait3A_52 = tpu.memref_squeeze %dma_wait3A_51 : memref<1x1x400xi32, #tpu.memory_space<hbm>> -> memref<400xi32, #tpu.memory_space<hbm>>
      tpu.wait_dma2 semaphore(%arg18 : memref<!tpu.dma_semaphore, #tpu.memory_space<semaphore_mem>>) src(%dma_wait3A_52 : memref<400xi32, #tpu.memory_space<hbm>>) dst(%arg7 : memref<400xi32, #tpu.memory_space<vmem>>)
      %dma_start3A_53 = arith.constant 0 : i32
      %dma_start3A_54 = arith.constant 0 : i32
      %dma_start3A_55 = tpu.memref_slice %arg2[%dma_start3A_53, %dma_start3A_54] : memref<10000x48xf32, #tpu.memory_space<hbm>> -> memref<10000x48xf32, #tpu.memory_space<hbm>>
      tpu.enqueue_indirect_dma source(%dma_start3A_55 : memref<10000x48xf32, #tpu.memory_space<hbm>>) target(%arg9 : memref<400x48xf32, #tpu.memory_space<vmem>>) offsets(%arg7 : memref<400xi32, #tpu.memory_space<vmem>>) semaphore(%arg14 : memref<!tpu.dma_semaphore, #tpu.memory_space<semaphore_mem>>)
      %mul3A_56 = arith.constant 2 : i32
      %mul3A_57 = arith.muli %mul3A_56, %scan3A_40 : i32
      %add3A_58 = arith.constant 1 : i32
      %add3A_59 = arith.addi %mul3A_57, %add3A_58 : i32
      %ge3A_60 = arith.constant 2 : i32
      %ge3A_61 = arith.cmpi sge, %add3A_59, %ge3A_60 : i32
      %convert_element_type3A_62 = arith.extui %ge3A_61 : i1 to i32
      %cond3A_63 = arith.constant 0 : i32
      %cond3A_64 = arith.cmpi ne, %convert_element_type3A_62, %cond3A_63 : i32
      scf.if %cond3A_64 {
        %sub3A = arith.constant 2 : i32
        %sub3A_119 = arith.subi %add3A_59, %sub3A : i32
        %mul3A_120 = arith.constant 20000 : i32
        %mul3A_121 = arith.muli %add3A, %mul3A_120 : i32
        %mul3A_122 = arith.constant 400 : i32
        %mul3A_123 = arith.muli %sub3A_119, %mul3A_122 : i32
        %add3A_124 = arith.addi %mul3A_121, %mul3A_123 : i32
        %dma_wait3A_125 = arith.constant 0 : i32
        %dma_wait3A_126 = tpu.memref_slice %arg5[%add3A_124, %dma_wait3A_125] : memref<640000x128xf32, #tpu.memory_space<hbm>> -> memref<400x48xf32, #tpu.memory_space<hbm>>
        %dma_wait3A_127 = arith.constant 0 : i32
        %dma_wait3A_128 = tpu.memref_slice %arg5[%add3A_124, %dma_wait3A_127] : memref<640000x128xf32, #tpu.memory_space<hbm>> -> memref<400x48xf32, #tpu.memory_space<hbm>>
        tpu.wait_dma2 semaphore(%arg17 : memref<!tpu.dma_semaphore, #tpu.memory_space<semaphore_mem>>) src(%arg10 : memref<400x48xf32, #tpu.memory_space<vmem>>) dst(%dma_wait3A_128 : memref<400x48xf32, #tpu.memory_space<hbm>>)
      } else {
      }
      %dma_wait3A_65 = arith.constant 0 : i32
      %dma_wait3A_66 = tpu.memref_slice %arg4[%add3A, %add3A_59, %dma_wait3A_65] : memref<32x50x400xi32, #tpu.memory_space<hbm>> -> memref<1x1x400xi32, #tpu.memory_space<hbm>>
      %dma_wait3A_67 = tpu.memref_squeeze %dma_wait3A_66 : memref<1x1x400xi32, #tpu.memory_space<hbm>> -> memref<400xi32, #tpu.memory_space<hbm>>
      %dma_wait3A_68 = arith.constant 0 : i32
      %dma_wait3A_69 = tpu.memref_slice %arg4[%add3A, %add3A_59, %dma_wait3A_68] : memref<32x50x400xi32, #tpu.memory_space<hbm>> -> memref<1x1x400xi32, #tpu.memory_space<hbm>>
      %dma_wait3A_70 = tpu.memref_squeeze %dma_wait3A_69 : memref<1x1x400xi32, #tpu.memory_space<hbm>> -> memref<400xi32, #tpu.memory_space<hbm>>
      tpu.wait_dma2 semaphore(%arg19 : memref<!tpu.dma_semaphore, #tpu.memory_space<semaphore_mem>>) src(%dma_wait3A_70 : memref<400xi32, #tpu.memory_space<hbm>>) dst(%arg8 : memref<400xi32, #tpu.memory_space<vmem>>)
      %dma_start3A_71 = arith.constant 0 : i32
      %dma_start3A_72 = arith.constant 0 : i32
      %dma_start3A_73 = tpu.memref_slice %arg2[%dma_start3A_71, %dma_start3A_72] : memref<10000x48xf32, #tpu.memory_space<hbm>> -> memref<10000x48xf32, #tpu.memory_space<hbm>>
      tpu.enqueue_indirect_dma source(%dma_start3A_73 : memref<10000x48xf32, #tpu.memory_space<hbm>>) target(%arg10 : memref<400x48xf32, #tpu.memory_space<vmem>>) offsets(%arg8 : memref<400xi32, #tpu.memory_space<vmem>>) semaphore(%arg15 : memref<!tpu.dma_semaphore, #tpu.memory_space<semaphore_mem>>)
      %mul3A_74 = arith.constant 2 : i32
      %mul3A_75 = arith.muli %mul3A_74, %scan3A_40 : i32
      %add3A_76 = arith.constant 0 : i32
      %add3A_77 = arith.addi %mul3A_75, %add3A_76 : i32
      %dma_wait3A_78 = arith.constant 0 : i32
      %dma_wait3A_79 = arith.constant 0 : i32
      %dma_wait3A_80 = tpu.memref_slice %arg2[%dma_wait3A_78, %dma_wait3A_79] : memref<10000x48xf32, #tpu.memory_space<hbm>> -> memref<10000x48xf32, #tpu.memory_space<hbm>>
      tpu.wait_indirect_dma semaphore(%arg14 : memref<!tpu.dma_semaphore, #tpu.memory_space<semaphore_mem>>) src(%dma_wait3A_80 : memref<10000x48xf32, #tpu.memory_space<hbm>>) dst(%arg9 : memref<400x48xf32, #tpu.memory_space<vmem>>)
      %mul3A_81 = arith.constant 20000 : i32
      %mul3A_82 = arith.muli %add3A, %mul3A_81 : i32
      %mul3A_83 = arith.constant 400 : i32
      %mul3A_84 = arith.muli %add3A_77, %mul3A_83 : i32
      %add3A_85 = arith.addi %mul3A_82, %mul3A_84 : i32
      %dma_start3A_86 = arith.constant 0 : i32
      %dma_start3A_87 = tpu.memref_slice %arg5[%add3A_85, %dma_start3A_86] : memref<640000x128xf32, #tpu.memory_space<hbm>> -> memref<400x48xf32, #tpu.memory_space<hbm>>
      %dma_start3A_88 = arith.constant 0 : i32
      %dma_start3A_89 = tpu.memref_slice %arg5[%add3A_85, %dma_start3A_88] : memref<640000x128xf32, #tpu.memory_space<hbm>> -> memref<400x48xf32, #tpu.memory_space<hbm>>
      tpu.enqueue_dma source(%arg9 : memref<400x48xf32, #tpu.memory_space<vmem>>) target(%dma_start3A_89 : memref<400x48xf32, #tpu.memory_space<hbm>>) target_semaphore(%arg16 : memref<!tpu.dma_semaphore, #tpu.memory_space<semaphore_mem>>)
      %add3A_90 = arith.constant 2 : i32
      %add3A_91 = arith.addi %add3A_77, %add3A_90 : i32
      %lt3A = arith.constant 50 : i32
      %lt3A_92 = arith.cmpi slt, %add3A_91, %lt3A : i32
      %convert_element_type3A_93 = arith.extui %lt3A_92 : i1 to i32
      %cond3A_94 = arith.constant 0 : i32
      %cond3A_95 = arith.cmpi ne, %convert_element_type3A_93, %cond3A_94 : i32
      scf.if %cond3A_95 {
        %add3A_119 = arith.constant 2 : i32
        %add3A_120 = arith.addi %add3A_77, %add3A_119 : i32
        %dma_start3A_121 = arith.constant 0 : i32
        %dma_start3A_122 = tpu.memref_slice %arg4[%add3A, %add3A_120, %dma_start3A_121] : memref<32x50x400xi32, #tpu.memory_space<hbm>> -> memref<1x1x400xi32, #tpu.memory_space<hbm>>
        %dma_start3A_123 = tpu.memref_squeeze %dma_start3A_122 : memref<1x1x400xi32, #tpu.memory_space<hbm>> -> memref<400xi32, #tpu.memory_space<hbm>>
        %dma_start3A_124 = arith.constant 0 : i32
        %dma_start3A_125 = tpu.memref_slice %arg4[%add3A, %add3A_120, %dma_start3A_124] : memref<32x50x400xi32, #tpu.memory_space<hbm>> -> memref<1x1x400xi32, #tpu.memory_space<hbm>>
        %dma_start3A_126 = tpu.memref_squeeze %dma_start3A_125 : memref<1x1x400xi32, #tpu.memory_space<hbm>> -> memref<400xi32, #tpu.memory_space<hbm>>
        tpu.enqueue_dma source(%dma_start3A_126 : memref<400xi32, #tpu.memory_space<hbm>>) target(%arg7 : memref<400xi32, #tpu.memory_space<vmem>>) target_semaphore(%arg18 : memref<!tpu.dma_semaphore, #tpu.memory_space<semaphore_mem>>)
      } else {
      }
      %mul3A_96 = arith.constant 2 : i32
      %mul3A_97 = arith.muli %mul3A_96, %scan3A_40 : i32
      %add3A_98 = arith.constant 1 : i32
      %add3A_99 = arith.addi %mul3A_97, %add3A_98 : i32
      %dma_wait3A_100 = arith.constant 0 : i32
      %dma_wait3A_101 = arith.constant 0 : i32
      %dma_wait3A_102 = tpu.memref_slice %arg2[%dma_wait3A_100, %dma_wait3A_101] : memref<10000x48xf32, #tpu.memory_space<hbm>> -> memref<10000x48xf32, #tpu.memory_space<hbm>>
      tpu.wait_indirect_dma semaphore(%arg15 : memref<!tpu.dma_semaphore, #tpu.memory_space<semaphore_mem>>) src(%dma_wait3A_102 : memref<10000x48xf32, #tpu.memory_space<hbm>>) dst(%arg10 : memref<400x48xf32, #tpu.memory_space<vmem>>)
      %mul3A_103 = arith.constant 20000 : i32
      %mul3A_104 = arith.muli %add3A, %mul3A_103 : i32
      %mul3A_105 = arith.constant 400 : i32
      %mul3A_106 = arith.muli %add3A_99, %mul3A_105 : i32
      %add3A_107 = arith.addi %mul3A_104, %mul3A_106 : i32
      %dma_start3A_108 = arith.constant 0 : i32
      %dma_start3A_109 = tpu.memref_slice %arg5[%add3A_107, %dma_start3A_108] : memref<640000x128xf32, #tpu.memory_space<hbm>> -> memref<400x48xf32, #tpu.memory_space<hbm>>
      %dma_start3A_110 = arith.constant 0 : i32
      %dma_start3A_111 = tpu.memref_slice %arg5[%add3A_107, %dma_start3A_110] : memref<640000x128xf32, #tpu.memory_space<hbm>> -> memref<400x48xf32, #tpu.memory_space<hbm>>
      tpu.enqueue_dma source(%arg10 : memref<400x48xf32, #tpu.memory_space<vmem>>) target(%dma_start3A_111 : memref<400x48xf32, #tpu.memory_space<hbm>>) target_semaphore(%arg17 : memref<!tpu.dma_semaphore, #tpu.memory_space<semaphore_mem>>)
      %add3A_112 = arith.constant 2 : i32
      %add3A_113 = arith.addi %add3A_99, %add3A_112 : i32
      %lt3A_114 = arith.constant 50 : i32
      %lt3A_115 = arith.cmpi slt, %add3A_113, %lt3A_114 : i32
      %convert_element_type3A_116 = arith.extui %lt3A_115 : i1 to i32
      %cond3A_117 = arith.constant 0 : i32
      %cond3A_118 = arith.cmpi ne, %convert_element_type3A_116, %cond3A_117 : i32
      scf.if %cond3A_118 {
        %add3A_119 = arith.constant 2 : i32
        %add3A_120 = arith.addi %add3A_99, %add3A_119 : i32
        %dma_start3A_121 = arith.constant 0 : i32
        %dma_start3A_122 = tpu.memref_slice %arg4[%add3A, %add3A_120, %dma_start3A_121] : memref<32x50x400xi32, #tpu.memory_space<hbm>> -> memref<1x1x400xi32, #tpu.memory_space<hbm>>
        %dma_start3A_123 = tpu.memref_squeeze %dma_start3A_122 : memref<1x1x400xi32, #tpu.memory_space<hbm>> -> memref<400xi32, #tpu.memory_space<hbm>>
        %dma_start3A_124 = arith.constant 0 : i32
        %dma_start3A_125 = tpu.memref_slice %arg4[%add3A, %add3A_120, %dma_start3A_124] : memref<32x50x400xi32, #tpu.memory_space<hbm>> -> memref<1x1x400xi32, #tpu.memory_space<hbm>>
        %dma_start3A_126 = tpu.memref_squeeze %dma_start3A_125 : memref<1x1x400xi32, #tpu.memory_space<hbm>> -> memref<400xi32, #tpu.memory_space<hbm>>
        tpu.enqueue_dma source(%dma_start3A_126 : memref<400xi32, #tpu.memory_space<hbm>>) target(%arg8 : memref<400xi32, #tpu.memory_space<vmem>>) target_semaphore(%arg19 : memref<!tpu.dma_semaphore, #tpu.memory_space<semaphore_mem>>)
      } else {
      }
    }
    %scan3A_24 = arith.constant 25 : i32
    %mul3A_25 = arith.constant 20000 : i32
    %mul3A_26 = arith.muli %add3A, %mul3A_25 : i32
    %add3A_27 = arith.constant 19200 : i32
    %add3A_28 = arith.addi %mul3A_26, %add3A_27 : i32
    %dma_wait3A = arith.constant 0 : i32
    %dma_wait3A_29 = tpu.memref_slice %arg5[%add3A_28, %dma_wait3A] : memref<640000x128xf32, #tpu.memory_space<hbm>> -> memref<400x48xf32, #tpu.memory_space<hbm>>
    %dma_wait3A_30 = arith.constant 0 : i32
    %dma_wait3A_31 = tpu.memref_slice %arg5[%add3A_28, %dma_wait3A_30] : memref<640000x128xf32, #tpu.memory_space<hbm>> -> memref<400x48xf32, #tpu.memory_space<hbm>>
    tpu.wait_dma2 semaphore(%arg16 : memref<!tpu.dma_semaphore, #tpu.memory_space<semaphore_mem>>) src(%arg9 : memref<400x48xf32, #tpu.memory_space<vmem>>) dst(%dma_wait3A_31 : memref<400x48xf32, #tpu.memory_space<hbm>>)
    %mul3A_32 = arith.constant 20000 : i32
    %mul3A_33 = arith.muli %add3A, %mul3A_32 : i32
    %add3A_34 = arith.constant 19600 : i32
    %add3A_35 = arith.addi %mul3A_33, %add3A_34 : i32
    %dma_wait3A_36 = arith.constant 0 : i32
    %dma_wait3A_37 = tpu.memref_slice %arg5[%add3A_35, %dma_wait3A_36] : memref<640000x128xf32, #tpu.memory_space<hbm>> -> memref<400x48xf32, #tpu.memory_space<hbm>>
    %dma_wait3A_38 = arith.constant 0 : i32
    %dma_wait3A_39 = tpu.memref_slice %arg5[%add3A_35, %dma_wait3A_38] : memref<640000x128xf32, #tpu.memory_space<hbm>> -> memref<400x48xf32, #tpu.memory_space<hbm>>
    tpu.wait_dma2 semaphore(%arg17 : memref<!tpu.dma_semaphore, #tpu.memory_space<semaphore_mem>>) src(%arg10 : memref<400x48xf32, #tpu.memory_space<vmem>>) dst(%dma_wait3A_39 : memref<400x48xf32, #tpu.memory_space<hbm>>)
    return
  }
}

module attributes {stable_mosaic.version = 14 : i64} {
  func.func @_tables_body(%arg0: memref<10000x12xf32, #tpu.memory_space<vmem>>, %arg1: memref<10000x1xi32, #tpu.memory_space<vmem>>, %arg2: memref<10000x48xf32, #tpu.memory_space<vmem>>, %arg3: memref<10000x1xf32, #tpu.memory_space<vmem>>) attributes {dimension_semantics = [], scalar_prefetch = 0 : i64, scratch_operands = 0 : i64, tpu.core_type = #tpu.core_type<tc>} {
    %get3A = arith.constant 0 : index
    %get3A_0 = arith.constant 0 : index
    %get3A_1 = vector.load %arg0[%get3A, %get3A_0] : memref<10000x12xf32, #tpu.memory_space<vmem>>, vector<10000x12xf32>
    %broadcast_in_dim3A = arith.constant 0.000000e+00 : f32
    %broadcast_in_dim3A_2 = vector.broadcast %broadcast_in_dim3A : f32 to vector<1x12xf32>
    %slice3A = vector.extract_strided_slice %get3A_1 {offsets = [0, 0], sizes = [9999, 12], strides = [1, 1]} : vector<10000x12xf32> to vector<9999x12xf32>
    %concatenate3A = tpu.concatenate %broadcast_in_dim3A_2, %slice3A in 0 : vector<1x12xf32>, vector<9999x12xf32> -> vector<10000x12xf32>
    %slice3A_3 = vector.extract_strided_slice %get3A_1 {offsets = [1, 0], sizes = [9999, 12], strides = [1, 1]} : vector<10000x12xf32> to vector<9999x12xf32>
    %concatenate3A_4 = tpu.concatenate %slice3A_3, %broadcast_in_dim3A_2 in 0 : vector<9999x12xf32>, vector<1x12xf32> -> vector<10000x12xf32>
    %broadcast_in_dim3A_5 = arith.constant 0.000000e+00 : f32
    %broadcast_in_dim3A_6 = vector.broadcast %broadcast_in_dim3A_5 : f32 to vector<10000x12xf32>
    %concatenate3A_7 = tpu.concatenate %concatenate3A, %get3A_1, %concatenate3A_4, %broadcast_in_dim3A_6 in 1 : vector<10000x12xf32>, vector<10000x12xf32>, vector<10000x12xf32>, vector<10000x12xf32> -> vector<10000x48xf32>
    %swap3A = arith.constant 0 : index
    %swap3A_8 = arith.constant 0 : index
    %swap3A_9 = vector.load %arg2[%swap3A, %swap3A_8] : memref<10000x48xf32, #tpu.memory_space<vmem>>, vector<10000x48xf32>
    tpu.vector_store %arg2[%swap3A, %swap3A_8], %concatenate3A_7 {strides = array<i32>} : memref<10000x48xf32, #tpu.memory_space<vmem>>, vector<10000x48xf32>,
    %get3A_10 = arith.constant 0 : index
    %get3A_11 = arith.constant 0 : index
    %get3A_12 = vector.load %arg1[%get3A_10, %get3A_11] : memref<10000x1xi32, #tpu.memory_space<vmem>>, vector<10000x1xi32>
    %broadcast_in_dim3A_13 = arith.constant 0 : i32
    %broadcast_in_dim3A_14 = vector.broadcast %broadcast_in_dim3A_13 : i32 to vector<1x1xi32>
    %slice3A_15 = vector.extract_strided_slice %get3A_12 {offsets = [0, 0], sizes = [9999, 1], strides = [1, 1]} : vector<10000x1xi32> to vector<9999x1xi32>
    %concatenate3A_16 = tpu.concatenate %broadcast_in_dim3A_14, %slice3A_15 in 0 : vector<1x1xi32>, vector<9999x1xi32> -> vector<10000x1xi32>
    %slice3A_17 = vector.extract_strided_slice %get3A_12 {offsets = [1, 0], sizes = [9999, 1], strides = [1, 1]} : vector<10000x1xi32> to vector<9999x1xi32>
    %concatenate3A_18 = tpu.concatenate %slice3A_17, %broadcast_in_dim3A_14 in 0 : vector<9999x1xi32>, vector<1x1xi32> -> vector<10000x1xi32>
    %gt3A = arith.constant 0 : i32
    %gt3A_19 = vector.broadcast %gt3A : i32 to vector<10000x1xi32>
    %gt3A_20 = arith.cmpi sgt, %concatenate3A_16, %gt3A_19 : vector<10000x1xi32>
    %eq3A = arith.cmpi eq, %concatenate3A_16, %get3A_12 : vector<10000x1xi32>
    %and3A = arith.andi %gt3A_20, %eq3A : vector<10000x1xi1>
    %eq3A_21 = arith.cmpi eq, %concatenate3A_16, %concatenate3A_18 : vector<10000x1xi32>
    %and3A_22 = arith.andi %and3A, %eq3A_21 : vector<10000x1xi1>
    %convert_element_type3A = arith.extui %and3A_22 : vector<10000x1xi1> to vector<10000x1xi32>
    %convert_element_type3A_23 = arith.sitofp %convert_element_type3A : vector<10000x1xi32> to vector<10000x1xf32>
    %swap3A_24 = arith.constant 0 : index
    %swap3A_25 = arith.constant 0 : index
    %swap3A_26 = vector.load %arg3[%swap3A_24, %swap3A_25] : memref<10000x1xf32, #tpu.memory_space<vmem>>, vector<10000x1xf32>
    tpu.vector_store %arg3[%swap3A_24, %swap3A_25], %convert_element_type3A_23 {strides = array<i32>} : memref<10000x1xf32, #tpu.memory_space<vmem>>, vector<10000x1xf32>,
    return
  }
}

module attributes {stable_mosaic.version = 14 : i64} {
  func.func @_asm_body(%arg0: i32, %arg1: memref<200x48xf32, #tpu.memory_space<vmem>>, %arg2: memref<200x64x128xf32, #tpu.memory_space<vmem>>, %arg3: memref<200x64x72xf32, #tpu.memory_space<vmem>>) attributes {dimension_semantics = [#tpu.dimension_semantics<arbitrary>], iteration_bounds = array<i64: 50>, scalar_prefetch = 0 : i64, scratch_operands = 0 : i64, tpu.core_type = #tpu.core_type<tc>, window_params = [{transform_indices = @transform_0, window_bounds = array<i64: 200, 48>}, {transform_indices = @transform_1, window_bounds = array<i64: 200, 64, 128>}, {transform_indices = @transform_2, window_bounds = array<i64: 200, 64, 72>}]} {
    %get3A = arith.constant 0 : index
    %get3A_0 = arith.constant 0 : index
    %get3A_1 = vector.load %arg1[%get3A, %get3A_0] : memref<200x48xf32, #tpu.memory_space<vmem>>, vector<200x48xf32>
    %slice3A = vector.extract_strided_slice %get3A_1 {offsets = [0, 0], sizes = [200, 36], strides = [1, 1]} : vector<200x48xf32> to vector<200x36xf32>
    %get3A_2 = arith.constant 0 : index
    %get3A_3 = arith.constant 0 : index
    %get3A_4 = arith.constant 0 : index
    %get3A_5 = vector.load %arg2[%get3A_2, %get3A_3, %get3A_4] : memref<200x64x128xf32, #tpu.memory_space<vmem>>, vector<200x64x128xf32>
    %slice3A_6 = vector.extract_strided_slice %get3A_5 {offsets = [0, 0, 0], sizes = [200, 64, 36], strides = [1, 1, 1]} : vector<200x64x128xf32> to vector<200x64x36xf32>
    %broadcast_in_dim3A = vector.shape_cast %slice3A : vector<200x36xf32> to vector<200x1x36xf32>
    %broadcast_in_dim3A_7 = vector.shape_cast %broadcast_in_dim3A : vector<200x1x36xf32> to vector<200x1x36xf32>
    %broadcast_in_dim3A_8 = vector.broadcast %broadcast_in_dim3A_7 : vector<200x1x36xf32> to vector<200x64x36xf32>
    %concatenate3A = tpu.concatenate %broadcast_in_dim3A_8, %slice3A_6 in 2 : vector<200x64x36xf32>, vector<200x64x36xf32> -> vector<200x64x72xf32>
    %swap3A = arith.constant 0 : index
    %swap3A_9 = arith.constant 0 : index
    %swap3A_10 = arith.constant 0 : index
    %swap3A_11 = vector.load %arg3[%swap3A, %swap3A_9, %swap3A_10] : memref<200x64x72xf32, #tpu.memory_space<vmem>>, vector<200x64x72xf32>
    tpu.vector_store %arg3[%swap3A, %swap3A_9, %swap3A_10], %concatenate3A {strides = array<i32>} : memref<200x64x72xf32, #tpu.memory_space<vmem>>, vector<200x64x72xf32>,
    return
  }
  func.func @transform_0(%arg0: i32) -> (i32, i32) {
    %c0_i32 = arith.constant 0 : i32
    %c0_i32_0 = arith.constant 0 : i32
    return %arg0, %c0_i32 : i32, i32
  }
  func.func @transform_1(%arg0: i32) -> (i32, i32, i32) {
    %c0_i32 = arith.constant 0 : i32
    %c0_i32_0 = arith.constant 0 : i32
    %c0_i32_1 = arith.constant 0 : i32
    return %arg0, %c0_i32, %c0_i32_0 : i32, i32, i32
  }
  func.func @transform_2(%arg0: i32) -> (i32, i32, i32) {
    %c0_i32 = arith.constant 0 : i32
    %c0_i32_0 = arith.constant 0 : i32
    %c0_i32_1 = arith.constant 0 : i32
    return %arg0, %c0_i32, %c0_i32_0 : i32, i32, i32
  }
}

</mosaic_0001>

<sc_bundles>
// kernel: kernel.5.cloned.1.call-start
scs
__scs_entry_jumppad:
0x0: {  	(pc) =	sbr.rel $0x88, $3  }
0x1: {  	(tag) =	ssettag $0x0;
	lr =	simm.s32 $0x1  }
0x2: {  	[smem:$0x3F9E] =	sst lr;
	_ =	strace $0xD0000000  }
0x3: {  	_ = 	snop  }
0x4: {  	_ = 	snop  }
0x5: {  	_ = 	snop  }
0x6: {  	_ = 	snop  }
0x7: {  	_ = 	snop  }
__scs_overlays_trampoline_lowered:
0x8: {  	[smem:$0x3FAD] =	sst s0  }
0x9: {  	[smem:$0x3FAE] =	sst s1  }
0xa: {  	[smem:$0x3FAF] =	sst s2  }
0xb: {  	[smem:$0x3FB0] =	sst s3  }
0xc: {  	[smem:$0x3FB1] =	sst s4  }
0xd: {  	[smem:$0x3FB2] =	sst s5  }
0xe: {  	[smem:$0x3FB3] =	sst s6  }
0xf: {  	[smem:$0x3FB4] =	sst s7  }
0x10: {  	[smem:$0x3FB5] =	sst s8  }
0x11: {  	[smem:$0x3FB6] =	sst s9;
	s0 =	simm.s32 @!p0 $0x0  }
0x12: {  	s1 =	sld [smem:$0x3F9C];
	s0 =	simm.s32 @p0 $0x1  }
0x13: {  	[smem:$0x3FB7] =	sst s0;
	s0 =	simm.s32 @!p1 $0x0  }
0x14: {  	s2 =	sld [smem:$0x3F9B];
	s0 =	simm.s32 @p1 $0x1  }
0x15: {  	[smem:$0x3FB8] =	sst s0;
	s0 =	simm.s32 @!p2 $0x0  }
0x16: {  	s3 =	sld [smem:$0x3FDB];
	s0 =	simm.s32 @p2 $0x1  }
0x17: {  	s4 =	simm.s32 $0x1BF5;
	[smem:$0x3FBA] =	sst s0  }
0x18: {  	s0 =	sld [smem:$0x3F9D];
	_ =	swait.ge [sflag:s4], $0x0  }
0x19: {  	s7 =	sld [smem:$0x3F9E]  }
0x1a: {  	s8 =	sadd.s32 $0xFFFFE003, lr  }
0x1b: {  	s9 =	sadd.s32 $0xFFFFFEF7, lr;
	s5 =	simm.s32 $0xFFFFFFFF;
	p2 =	slt.u32 s8, $0xFFFFF086  }
0x1c: {  	p1 =	slt.u32 s9, $0xF7A;
	s5 =	simm.s32 @!p2 $0x0  }
0x1d: {  	s5 =	simm.s32 @p1 $0x1;
	p0 =	seq.s32 s7, s2  }
0x1e: {  	s7 =	smul.u32 @!p0 $0xF7A, s2;
	p2 =	seq.s32 @!p0 s5, $0x0  }
0x1f: {  	s9 =	smul.u32 $0xF7A, s1;
	s8 =	simm.s32 @!p0 $0x1BF5;
	p2 =	por !p2, p0  }
0x20: {  	[sflag:s8] =	ssyncset.s32 @!p0 $0xFFFFF086;
	s6 =	sadd.s32 @!p0 s3, s7;
	s7 =	simm.s32 @!p0 $0x108  }
0x21: {  	s3 =	sadd.s32 s3, s9;
	s6 =	sadd.s32 @!p0 $0x88, s6;
	s7 =	simm.s32 @p2 $0x1082  }
0x22: {  	[simem:s7], [sflag:s8] =	dma.local @!p0 [hbm:s6], $0xF7A  }
0x23: {  	s9 =	sor.u32 $0xD0000000, s2;
	s6 =	simm.s32 $0x108;
	_ =	swait.ge @!p0 [sflag:s8], $0x0  }
0x24: {  	s3 =	sadd.s32 $0x88, s3;
	s6 =	simm.s32 @!p1 $0x1082;
	[sflag:s4] =	ssyncset.s32 $0xFFFFF086  }
0x25: {  	[simem:s6], [sflag:s4] =	dma.local [hbm:s3], $0xF7A  }
0x26: {  	[smem:$0x3F9E] =	sst s1;
	(tag) =	ssettag s2;
	_ =	strace s9  }
0x27: {  	s1 =	sld [smem:$0x3FAE]  }
0x28: {  	s2 =	sld [smem:$0x3FAF]  }
0x29: {  	s4 =	sld [smem:$0x3FB1]  }
0x2a: {  	p0 =	seq.s32 s5, $0x0;
	s5 =	sld [smem:$0x3FB2]  }
0x2b: {  	s6 =	sld [smem:$0x3FB3]  }
0x2c: {  	s7 =	sld [smem:$0x3FB4]  }
0x2d: {  	s3 =	simm.s32 $0x108;
	s8 =	sld [smem:$0x3FB5]  }
0x2e: {  	s3 =	simm.s32 @!p0 $0x1082;
	s9 =	sld [smem:$0x3FB6]  }
0x2f: {  	lr =	sadd.s32 s0, s3;
	s0 =	sld [smem:$0x3FAD]  }
0x30: {  	s3 =	sld [smem:$0x3FB0]  }
0x31: {  	[smem:$0x3FB9] =	sst s10  }
0x32: {  	s10 =	sld [smem:$0x3FB7];
	_ =	sdelay $0x3  }
0x33: {  	p0 =	seq.s32 s10, $0x1;
	s10 =	sld [smem:$0x3FB9];
	_ =	sdelay $0x3  }
0x34: {  	[smem:$0x3FB9] =	sst s10  }
0x35: {  	s10 =	sld [smem:$0x3FB8];
	_ =	sdelay $0x3  }
0x36: {  	p1 =	seq.s32 s10, $0x1;
	s10 =	sld [smem:$0x3FB9];
	_ =	sdelay $0x3  }
0x37: {  	[smem:$0x3FB9] =	sst s10  }
0x38: {  	s10 =	sld [smem:$0x3FBA]  }
0x39: {  	_ = 	snop;
	(pc) =	sbr.ind lr, $3  }
0x3a: {  	_ = 	snop  }
0x3b: {  	_ = 	snop  }
0x3c: {  	p2 =	seq.s32 s10, $0x1;
	s10 =	sld [smem:$0x3FB9]  }
0x3d: {  	_ =	shalt  }
0x3e: {  	_ =	shalt  }
0x3f: {  	_ =	shalt  }
0x40: {  	_ =	shalt  }
0x41: {  	_ =	shalt  }
0x42: {  	_ =	shalt  }
0x43: {  	_ =	shalt  }
0x44: {  	_ =	shalt  }
0x45: {  	_ =	shalt  }
0x46: {  	_ =	shalt  }
0x47: {  	_ =	shalt  }
0x48: {  	_ =	shalt  }
0x49: {  	_ =	shalt  }
0x4a: {  	_ =	shalt  }
0x4b: {  	_ =	shalt  }
0x4c: {  	_ =	shalt  }
0x4d: {  	_ =	shalt  }
0x4e: {  	_ =	shalt  }
0x4f: {  	_ =	shalt  }
0x50: {  	_ =	shalt  }
0x51: {  	_ =	shalt  }
0x52: {  	_ =	shalt  }
0x53: {  	_ =	shalt  }
0x54: {  	_ =	shalt  }
0x55: {  	_ =	shalt  }
0x56: {  	_ =	shalt  }
0x57: {  	_ =	shalt  }
0x58: {  	_ =	shalt  }
0x59: {  	_ =	shalt  }
0x5a: {  	_ =	shalt  }
0x5b: {  	_ =	shalt  }
0x5c: {  	_ =	shalt  }
0x5d: {  	_ =	shalt  }
0x5e: {  	_ =	shalt  }
0x5f: {  	_ =	shalt  }
0x60: {  	_ =	shalt  }
0x61: {  	_ =	shalt  }
0x62: {  	_ =	shalt  }
0x63: {  	_ =	shalt  }
0x64: {  	_ =	shalt  }
0x65: {  	_ =	shalt  }
0x66: {  	_ =	shalt  }
0x67: {  	_ =	shalt  }
0x68: {  	_ =	shalt  }
0x69: {  	_ =	shalt  }
0x6a: {  	_ =	shalt  }
0x6b: {  	_ =	shalt  }
0x6c: {  	_ =	shalt  }
0x6d: {  	_ =	shalt  }
0x6e: {  	_ =	shalt  }
0x6f: {  	_ =	shalt  }
0x70: {  	_ =	shalt  }
0x71: {  	_ =	shalt  }
0x72: {  	_ =	shalt  }
0x73: {  	_ =	shalt  }
0x74: {  	_ =	shalt  }
0x75: {  	_ =	shalt  }
0x76: {  	_ =	shalt  }
0x77: {  	_ =	shalt  }
0x78: {  	_ =	shalt  }
0x79: {  	_ =	shalt  }
0x7a: {  	_ =	shalt  }
0x7b: {  	_ =	shalt  }
0x7c: {  	_ =	shalt  }
0x7d: {  	_ =	shalt  }
0x7e: {  	_ =	shalt  }
0x7f: {  	_ =	shalt  }
0x80: {  	_ =	shalt  }
0x81: {  	_ =	shalt  }
0x82: {  	_ =	shalt  }
0x83: {  	_ =	shalt  }
0x84: {  	_ =	shalt  }
0x85: {  	_ =	shalt  }
0x86: {  	_ =	shalt  }
0x87: {  	_ =	shalt  }
.Lfunc_end0:
.L_simem_size_0:
called_computation.1_lowered:
.L_overlay_start_0:
0x88: {  	s2 =	sld [smem:$0x3FD9]  }
0x89: {  	s3 =	sld [smem:$0x3FFE];
	_ =	sdelay $0x1  }
0x8a: {  	s1 =	srdreg.scid  }
0x8b: {  	s0 =	sand.u32 $0x1, s1  }
0x8c: {  	s14 =	sshll.u32 s0, $0xA;
	s2 =	sadd.s32 s3, s2  }
0x8d: {  	s2 =	sadd.s32 s2, s14  }
0x8e: {  	[smem:$0x3FC5] =	sst s2  }
0x8f: {  	_ = 	snop  }
0x90: {  	s2 =	sld [smem:$0x3FD0];
	_ =	sdelay $0x2  }
0x91: {  	s15 =	simm.s32 $0xA;
	s4 =	simm.s32 $0x10  }
0x92: {  	[smem:s4], [sflag:s15] =	dma.local [hbm:s2], $0x1  }
0x93: {  	_ =	swait.eq [sflag:s15], $0x1  }
0x94: {  	[sflag:s15] =	ssyncset.done $0x0  }
0x95: {  	s16 =	sld [smem:$0x10];
	[sflag:s15] =	ssyncadd.s32 $0xFFFFFFFF  }
0x96: {  	s17 =	sld [smem:$0x11];
	(tm) =	ssettm $0x1  }
0x97: {  	s18 =	sld [smem:$0x3FFB];
	_ =	sdelay $0x3  }
0x98: {  	_ =	strace s18  }
0x99: {  	s4 =	sld [smem:$0x3FFC];
	_ =	sdelay $0x3  }
0x9a: {  	_ =	strace s4  }
0x9b: {  	s4 =	sld [smem:$0x3FFD];
	_ =	sdelay $0x3  }
0x9c: {  	_ =	strace s4  }
0x9d: {  	_ =	strace $0x8FFFFFFF  }
0x9e: {  	s19 =	sld [smem:$0x3FDB];
	_ =	sdelay $0x1  }
0x9f: {  	s5 =	simm.s32 $_scs_section_size  }
0xa0: {  	s6 =	simm.s32 $_size__tile_overlayer_lowered;
	s7 =	simm.s32 $_tile_overlayer_lowered  }
0xa1: {  	s22 =	simm.s32 $0x1BFF;
	s21 =	sshll.u32 s7, $0x1;
	s4 =	sadd.s32 s5, s19  }
0xa2: {  	s8 =	simm.s32 $0x0;
	s20 =	sshll.u32 s6, $0x1;
	s6 =	sadd.s32 s21, s4  }
0xa3: {  	[timem:s8], [sflag:s22] =	dma.local [hbm:s6], s20  }
0xa4: {  	_ =	swait.ge [sflag:s22], s20  }
0xa5: {  	s5 =	ssub.s32 $0x0, s20;
	[sflag:s22] =	ssyncset.done $0x0  }
0xa6: {  	[sflag:s22] =	ssyncadd.s32 s5;
	_ =	sdelay $0x1  }
0xa7: {  	s23 =	simm.s32 $0x1B8B  }
0xa8: {  	_ =	swait.ge [sflag:s23], $0x1  }
0xa9: {  	[sflag:s23] =	ssyncset.done $0x0  }
0xaa: {  	s25 =	simm.s32 $0x1B8E;
	s24 =	sld [smem:$0x3FFE];
	[sflag:s23] =	ssyncadd.s32 $0xFFFFFFFF  }
0xab: {  	s26 =	simm.s32 $execute0_lowered;
	[smem:$0x3FD2] =	sst s25  }
0xac: {  	s6 =	sshll.u32 s26, $0x1;
	_ =	strace $0x80000046;
	[dreg:$0x1] =	wrdreg $0xFFFFFFFF  }
0xad: {  	s28 =	simm.s32 $_size_execute0_lowered;
	s4 =	sadd.s32 s4, s6;
	[dreg:$0x0] =	wrdreg $0x0  }
0xae: {  	s6 =	sshll.u32 s28, $0x1;
	[dreg:$0x2] =	wrdreg s4  }
0xaf: {  	[dreg:$0x3] =	wrdreg s6  }
0xb0: {  	[dreg:$0x4] =	wrdreg $0xC0  }
0xb1: {  	_ =	task [dreg:s8], $0x5FFFF  }
0xb2: {  	[dreg:$0x1] =	wrdreg $0xFFFFFFFF  }
0xb3: {  	[dreg:$0x0] =	wrdreg $0x60  }
0xb4: {  	[dreg:$0x2] =	wrdreg s16  }
0xb5: {  	[dreg:$0x3] =	wrdreg s24  }
0xb6: {  	[dreg:$0x4] =	wrdreg s17  }
0xb7: {  	[dreg:$0x5] =	wrdreg $0x9  }
0xb8: {  	_ =	task.clear_ibuf [dreg:s8], $0x6FFFF;
	_ =	strace $0x90000046  }
0xb9: {  	s29 =	simm.s32 $0x9;
	_ =	strace $0x80000048  }
0xba: {  	_ =	swait.ge [sflag:s29], $0x1  }
0xbb: {  	[sflag:s29] =	ssyncadd.s32 $0xFFFFFFFF  }
0xbc: {  	_ =	strace $0x90000048  }
0xbd: {  	_ =	sfence  }
0xbe: {  	s30 =	sld [smem:$0x0];
	_ =	sdelay $0x2  }
0xbf: {  	s31 =	sshll.u32 s1, $0xD;
	s1 =	sshrl.u32 s1, $0x2  }
0xc0: {  	s3 =	sand.u32 $0x4000, s31;
	s1 =	sadd.s32 s1, s30  }
0xc1: {  	s0 =	sor.u32 s3, s0;
	s1 =	sshll.u32 s1, $0x11  }
0xc2: {  	s0 =	sor.u32 s1, s0  }
0xc3: {  	s0 =	sadd.s32 $0x8F2B, s0  }
0xc4: {  	[sflag:s0] =	ssyncadd.remote.s32 $0x1  }
0xc5: {  	_ =	sfence.sel $0xFFFF  }
0xc6: {  	[dreg:$0x0] =	wrdreg $0xFFFFFFFF;
	(pc) =	sbr.abs _section_cstart, $3  }
0xc7: {  	[dreg:$0x1] =	wrdreg $0xFFFFFFFF  }
0xc8: {  	_ =	task.clear_ibuf [dreg:s8], $0x2FFFF;
	_ =	strace $0x9FFFFFFF  }
0xc9: {  	(tm) =	ssettm $0x7FFFFFFF  }
tec
execute0_lowered:
.L_overlay_start_1:
0x0: {  	(tag) =	ssettag $0x1  }
0x1: {  	s1 =	rddreg [dreg:$0x0]  }
0x2: {  	s0 =	rddreg [dreg:$0x1]  }
0x3: {  	s2 =	srdreg.scid;
	s14 =	stileid.u32  }
0x4: {  	s4 =	rddreg [dreg:$0x2];
	s3 =	simm.s32 $0x0;
	s28 =	simm.s32 $0x1  }
0x5: {  	s29 =	simm.s32 $0x30;
	s30 =	simm.s32 $0x80;
	s31 =	simm.s32 $0x2  }
0x6: {  	s2 =	sand.u32 $0x1, s2;
	s5 =	sshll.u32 s14, $0x1;
	s18 =	smul.u32 $0x9C40, s14  }
0x7: {  	[smem:$0x7FF] =	sst s3;
	s7 =	sadd.s32 $0x1000, s0;
	s24 =	smul.u32 $0x9C400, s14  }
0x8: {  	s17 =	sadd.s32 $0x1600, s0;
	s5 =	sor.u32 s2, s5;
	s12 =	smul.u32 $0x4E20, s2  }
0x9: {  	_ =	strace $0x80000047;
	s9 =	ssub.s32 $0x2, s2;
	s2 =	smul.u32 $0x4E200, s2  }
0xa: {  	[dreg:$0x4] =	wrdreg s7;
	s6 =	smul.u32 $0x4E20, s5;
	s10 =	sshrl.u32 s9, $0x1  }
0xb: {  	s11 =	smul.u32 $0x4E200, s5;
	s9 =	ssub.s32 s9, s10;
	s10 =	sadd.s32 s12, s18  }
0xc: {  	s18 =	simm.s32 $0x0;
	s8 =	sshrl.u32 s6, $0x3;
	s6 =	sadd.s32 $0x190, s6  }
0xd: {  	s21 =	smax.u32 s9, $0x1;
	s9 =	sadd.s32 s17, s11;
	s23 =	sadd.s32 $0x7D0, s10  }
0xe: {  	s25 =	sshll.u32 s10, $0x4;
	s16 =	sadd.s32 $0x640, s10;
	s0 =	sadd.s32 s8, s0  }
0xf: {  	s5 =	sadd.s32 s4, s8;
	s19 =	sshrl.u32 s6, $0x3;
	[dreg:$0x7] =	wrdreg s21  }
0x10: {  	s22 =	sshll.u32 s6, $0x4;
	s6 =	sadd.s32 s24, s17;
	s26 =	sshrl.u32 s16, $0x3  }
0x11: {  	s24 =	simm.s32 $0x320;
	s0 =	sadd.s32 $0x9C5600, s0;
	s20 =	sadd.s32 s4, s19  }
0x12: {  	s11 =	sadd.s32 $0x64, s5;
	s12 =	sadd.s32 s17, s22;
	s13 =	sadd.s32 $0x96, s5  }
0x13: {  	s2 =	sadd.s32 s2, s6;
	s16 =	sadd.s32 s26, s4;
	s19 =	simm.s32 $0x7  }
.Ltmp0:
0x14: {  	s22 =	simm.s32 $0x190;
	[dreg:$0x5] =	wrdreg s0;
	(pc) =	sbr.rel .LBB2_1-.Ltmp0, $4  }
0x15: {  	s26 =	simm.s32 $0x4E20;
	[dreg:$0x6] =	wrdreg s20;
	s0 =	sshrl.u32 s23, $0x3  }
0x16: {  	s20 =	simm.s32 $0x9920;
	s23 =	simm.s32 $0x5;
	s14 =	sadd.s32 s0, s4  }
0x17: {  	s0 =	sadd.s32 s17, s25;
	s17 =	sadd.s32 $0x3200, s2;
	s25 =	simm.s32 $0x6  }
0x18: {  	s2 =	simm.s32 $0x3;
	s15 =	sadd.s32 $0x4B00, s0;
	s0 =	simm.s32 $0x4  }
.LBB2_6:
0x19: {  	_ =	swait.ge [sflag:s2], $0x4B00  }
0x1a: {  	[sflag:s2] =	ssyncset.done $0x0  }
0x1b: {  	[sflag:s2] =	ssyncadd.s32 $0xFFFFB500  }
0x1c: {  	_ =	swait.ge [sflag:s0], $0x4B00  }
0x1d: {  	s18 =	sadd.s32 $0x1, s18;
	s4 =	rddreg [dreg:$0x7]  }
0x1e: {  	p0 =	sne.s32 s18, s4  }
.Ltmp1:
0x1f: {  	_ = 	snop;
	(pc) =	sbr.rel @!p0 .LBB2_7-.Ltmp1, $3  }
0x20: {  	_ =	sdelay $0x1  }
0x21: {  	[sflag:s0] =	ssyncset.done $0x0  }
0x22: {  	[sflag:s0] =	ssyncadd.s32 $0xFFFFB500  }
.LBB2_1:
0x23: {  	s4 =	simm.s32 $0xC030  }
0x24: {  	[tilespmem:s4], [sflag:$0x7] =	stream.linear.gather [hbm4b:s5+s3], $0x4E20, $0x38;
	[tilespmem:$0x15C70] =	vst v63  }
0x25: {  	_ =	swait.ge [sflag:s19], $0x4E20  }
0x26: {  	[sflag:s19] =	ssyncset.done $0x0  }
0x27: {  	s21 =	rddreg [dreg:$0x4];
	[sflag:s19] =	ssyncadd.s32 $0xFFFFB1E0  }
0x28: {  	[tilespmem:s20], [sflag:$0x7] =	stream.linear.gather [hbm4b:s21+s3], $0x2710, $0x38;
	[tilespmem:$0x15C70] =	vst v63  }
0x29: {  	_ =	swait.ge [sflag:s19], $0x2710  }
0x2a: {  	s6 =	simm.s32 $0x0;
	[sflag:s19] =	ssyncset.done $0x0  }
0x2b: {  	s4 =	simm.s32 $0xC0F0;
	s21 =	simm.s32 $0x10F10;
	[sflag:s19] =	ssyncadd.s32 $0xFFFFD8F0  }
.LBB2_2:
0x2c: {  	s7 =	sadd.s32 s6, s10;
	v1 =	vld [tilespmem:s4+$0xFFFFFF40]  }
0x2d: {  	v0 =	vmov s7  }
0x2e: {  	v0 =	vshra.s32 v0, $0x6  }
0x2f: {  	v0 =	vbroadcast v0, $0x0;
	_ =	sdelay $0x4  }
0x30: {  	v1 =	vld.idx.msk [tilespmem:v1+s20+$0x0], $0xffff  }
0x31: {  	v0 =	vld.idx.msk [tilespmem:v0+s20+$0x0], $0xffff;
	_ =	sdelay $0x4  }
0x32: {  	v0 =	vmul.f32 v1, v0  }
0x33: {  	s8 =	sadd.s32 $0x10, s7  }
0x34: {  	v16 =	vmov s8;
	[tilespmem:s21+$0xFFFFFF40] =	vst v0  }
0x35: {  	v0 =	vshra.s32 v16, $0x6;
	v17 =	vld [tilespmem:s4+$0xFFFFFF50]  }
0x36: {  	v0 =	vbroadcast v0, $0x0;
	_ =	sdelay $0x5  }
0x37: {  	v0 =	vld.idx.msk [tilespmem:v0+s20+$0x0], $0xffff  }
0x38: {  	v1 =	vld.idx.msk [tilespmem:v17+s20+$0x0], $0xffff;
	_ =	sdelay $0x4  }
0x39: {  	v0 =	vmul.f32 v1, v0  }
0x3a: {  	s8 =	sadd.s32 $0x20, s7  }
0x3b: {  	v18 =	vmov s8;
	[tilespmem:s21+$0xFFFFFF50] =	vst v0  }
0x3c: {  	v0 =	vshra.s32 v18, $0x6;
	v19 =	vld [tilespmem:s4+$0xFFFFFF60]  }
0x3d: {  	v0 =	vbroadcast v0, $0x0;
	_ =	sdelay $0x5  }
0x3e: {  	v0 =	vld.idx.msk [tilespmem:v0+s20+$0x0], $0xffff  }
0x3f: {  	v1 =	vld.idx.msk [tilespmem:v19+s20+$0x0], $0xffff;
	_ =	sdelay $0x4  }
0x40: {  	v0 =	vmul.f32 v1, v0  }
0x41: {  	s8 =	sadd.s32 $0x30, s7  }
0x42: {  	v20 =	vmov s8;
	[tilespmem:s21+$0xFFFFFF60] =	vst v0  }
0x43: {  	v0 =	vshra.s32 v20, $0x6;
	v21 =	vld [tilespmem:s4+$0xFFFFFF70]  }
0x44: {  	v0 =	vbroadcast v0, $0x0;
	_ =	sdelay $0x5  }
0x45: {  	v0 =	vld.idx.msk [tilespmem:v0+s20+$0x0], $0xffff  }
0x46: {  	v1 =	vld.idx.msk [tilespmem:v21+s20+$0x0], $0xffff;
	_ =	sdelay $0x4  }
0x47: {  	v0 =	vmul.f32 v1, v0  }
0x48: {  	s8 =	sadd.s32 $0x40, s7  }
0x49: {  	v22 =	vmov s8;
	[tilespmem:s21+$0xFFFFFF70] =	vst v0  }
0x4a: {  	v0 =	vshra.s32 v22, $0x6;
	v23 =	vld [tilespmem:s4+$0xFFFFFF80]  }
0x4b: {  	v0 =	vbroadcast v0, $0x0;
	_ =	sdelay $0x5  }
0x4c: {  	v0 =	vld.idx.msk [tilespmem:v0+s20+$0x0], $0xffff  }
0x4d: {  	v1 =	vld.idx.msk [tilespmem:v23+s20+$0x0], $0xffff;
	_ =	sdelay $0x4  }
0x4e: {  	v0 =	vmul.f32 v1, v0  }
0x4f: {  	s8 =	sadd.s32 $0x50, s7  }
0x50: {  	v24 =	vmov s8;
	[tilespmem:s21+$0xFFFFFF80] =	vst v0  }
0x51: {  	v0 =	vshra.s32 v24, $0x6;
	v25 =	vld [tilespmem:s4+$0xFFFFFF90]  }
0x52: {  	v0 =	vbroadcast v0, $0x0;
	_ =	sdelay $0x5  }
0x53: {  	v0 =	vld.idx.msk [tilespmem:v0+s20+$0x0], $0xffff  }
0x54: {  	v1 =	vld.idx.msk [tilespmem:v25+s20+$0x0], $0xffff;
	_ =	sdelay $0x4  }
0x55: {  	v0 =	vmul.f32 v1, v0  }
0x56: {  	s8 =	sadd.s32 $0x60, s7  }
0x57: {  	v26 =	vmov s8;
	[tilespmem:s21+$0xFFFFFF90] =	vst v0  }
0x58: {  	v0 =	vshra.s32 v26, $0x6;
	v27 =	vld [tilespmem:s4+$0xFFFFFFA0]  }
0x59: {  	v0 =	vbroadcast v0, $0x0;
	_ =	sdelay $0x5  }
0x5a: {  	v0 =	vld.idx.msk [tilespmem:v0+s20+$0x0], $0xffff  }
0x5b: {  	v1 =	vld.idx.msk [tilespmem:v27+s20+$0x0], $0xffff;
	_ =	sdelay $0x4  }
0x5c: {  	v0 =	vmul.f32 v1, v0  }
0x5d: {  	s8 =	sadd.s32 $0x70, s7  }
0x5e: {  	v28 =	vmov s8;
	[tilespmem:s21+$0xFFFFFFA0] =	vst v0  }
0x5f: {  	v0 =	vshra.s32 v28, $0x6;
	v29 =	vld [tilespmem:s4+$0xFFFFFFB0]  }
0x60: {  	v0 =	vbroadcast v0, $0x0;
	_ =	sdelay $0x5  }
0x61: {  	v0 =	vld.idx.msk [tilespmem:v0+s20+$0x0], $0xffff  }
0x62: {  	v1 =	vld.idx.msk [tilespmem:v29+s20+$0x0], $0xffff;
	_ =	sdelay $0x4  }
0x63: {  	v0 =	vmul.f32 v1, v0  }
0x64: {  	s8 =	sadd.s32 $0x80, s7  }
0x65: {  	v30 =	vmov s8;
	[tilespmem:s21+$0xFFFFFFB0] =	vst v0  }
0x66: {  	v0 =	vshra.s32 v30, $0x6;
	v31 =	vld [tilespmem:s4+$0xFFFFFFC0]  }
0x67: {  	v0 =	vbroadcast v0, $0x0;
	_ =	sdelay $0x5  }
0x68: {  	v0 =	vld.idx.msk [tilespmem:v0+s20+$0x0], $0xffff  }
0x69: {  	v1 =	vld.idx.msk [tilespmem:v31+s20+$0x0], $0xffff;
	_ =	sdelay $0x4  }
0x6a: {  	v0 =	vmul.f32 v1, v0  }
0x6b: {  	s8 =	sadd.s32 $0x90, s7  }
0x6c: {  	v32 =	vmov s8;
	[tilespmem:s21+$0xFFFFFFC0] =	vst v0  }
0x6d: {  	v0 =	vshra.s32 v32, $0x6;
	v33 =	vld [tilespmem:s4+$0xFFFFFFD0]  }
0x6e: {  	v0 =	vbroadcast v0, $0x0;
	_ =	sdelay $0x5  }
0x6f: {  	v0 =	vld.idx.msk [tilespmem:v0+s20+$0x0], $0xffff  }
0x70: {  	v1 =	vld.idx.msk [tilespmem:v33+s20+$0x0], $0xffff;
	_ =	sdelay $0x4  }
0x71: {  	v0 =	vmul.f32 v1, v0  }
0x72: {  	s8 =	sadd.s32 $0xA0, s7  }
0x73: {  	v34 =	vmov s8;
	[tilespmem:s21+$0xFFFFFFD0] =	vst v0  }
0x74: {  	v0 =	vshra.s32 v34, $0x6;
	v35 =	vld [tilespmem:s4+$0xFFFFFFE0]  }
0x75: {  	v0 =	vbroadcast v0, $0x0;
	_ =	sdelay $0x5  }
0x76: {  	v0 =	vld.idx.msk [tilespmem:v0+s20+$0x0], $0xffff  }
0x77: {  	v1 =	vld.idx.msk [tilespmem:v35+s20+$0x0], $0xffff;
	_ =	sdelay $0x4  }
0x78: {  	v0 =	vmul.f32 v1, v0  }
0x79: {  	s8 =	sadd.s32 $0xB0, s7  }
0x7a: {  	v36 =	vmov s8;
	[tilespmem:s21+$0xFFFFFFE0] =	vst v0  }
0x7b: {  	v0 =	vshra.s32 v36, $0x6;
	v37 =	vld [tilespmem:s4+$0xFFFFFFF0]  }
0x7c: {  	v0 =	vbroadcast v0, $0x0;
	_ =	sdelay $0x5  }
0x7d: {  	v0 =	vld.idx.msk [tilespmem:v0+s20+$0x0], $0xffff  }
0x7e: {  	v1 =	vld.idx.msk [tilespmem:v37+s20+$0x0], $0xffff;
	_ =	sdelay $0x4  }
0x7f: {  	v0 =	vmul.f32 v1, v0  }
0x80: {  	s8 =	sadd.s32 $0xC0, s7  }
0x81: {  	v38 =	vmov s8;
	[tilespmem:s21+$0xFFFFFFF0] =	vst v0  }
0x82: {  	v0 =	vshra.s32 v38, $0x6;
	v39 =	vld [tilespmem:s4+$0x0]  }
0x83: {  	v0 =	vbroadcast v0, $0x0;
	_ =	sdelay $0x5  }
0x84: {  	v0 =	vld.idx.msk [tilespmem:v0+s20+$0x0], $0xffff  }
0x85: {  	v1 =	vld.idx.msk [tilespmem:v39+s20+$0x0], $0xffff;
	_ =	sdelay $0x4  }
0x86: {  	v0 =	vmul.f32 v1, v0  }
0x87: {  	s8 =	sadd.s32 $0xD0, s7  }
0x88: {  	v40 =	vmov s8;
	[tilespmem:s21+$0x0] =	vst v0  }
0x89: {  	v0 =	vshra.s32 v40, $0x6;
	v41 =	vld [tilespmem:s4+$0x10]  }
0x8a: {  	v0 =	vbroadcast v0, $0x0;
	_ =	sdelay $0x5  }
0x8b: {  	v0 =	vld.idx.msk [tilespmem:v0+s20+$0x0], $0xffff  }
0x8c: {  	v1 =	vld.idx.msk [tilespmem:v41+s20+$0x0], $0xffff;
	_ =	sdelay $0x4  }
0x8d: {  	v0 =	vmul.f32 v1, v0  }
0x8e: {  	s8 =	sadd.s32 $0xE0, s7  }
0x8f: {  	v42 =	vmov s8;
	[tilespmem:s21+$0x10] =	vst v0  }
0x90: {  	v0 =	vshra.s32 v42, $0x6;
	v43 =	vld [tilespmem:s4+$0x20]  }
0x91: {  	v0 =	vbroadcast v0, $0x0;
	_ =	sdelay $0x5  }
0x92: {  	v0 =	vld.idx.msk [tilespmem:v0+s20+$0x0], $0xffff  }
0x93: {  	v1 =	vld.idx.msk [tilespmem:v43+s20+$0x0], $0xffff;
	_ =	sdelay $0x4  }
0x94: {  	v0 =	vmul.f32 v1, v0  }
0x95: {  	s8 =	sadd.s32 $0xF0, s7  }
0x96: {  	v44 =	vmov s8;
	[tilespmem:s21+$0x20] =	vst v0  }
0x97: {  	v0 =	vshra.s32 v44, $0x6;
	v45 =	vld [tilespmem:s4+$0x30]  }
0x98: {  	v0 =	vbroadcast v0, $0x0;
	_ =	sdelay $0x5  }
0x99: {  	v0 =	vld.idx.msk [tilespmem:v0+s20+$0x0], $0xffff  }
0x9a: {  	v1 =	vld.idx.msk [tilespmem:v45+s20+$0x0], $0xffff;
	_ =	sdelay $0x4  }
0x9b: {  	v0 =	vmul.f32 v1, v0  }
0x9c: {  	s8 =	sadd.s32 $0x100, s7  }
0x9d: {  	v46 =	vmov s8;
	[tilespmem:s21+$0x30] =	vst v0  }
0x9e: {  	v0 =	vshra.s32 v46, $0x6;
	v47 =	vld [tilespmem:s4+$0x40]  }
0x9f: {  	v0 =	vbroadcast v0, $0x0;
	_ =	sdelay $0x5  }
0xa0: {  	v0 =	vld.idx.msk [tilespmem:v0+s20+$0x0], $0xffff  }
0xa1: {  	v1 =	vld.idx.msk [tilespmem:v47+s20+$0x0], $0xffff;
	_ =	sdelay $0x4  }
0xa2: {  	v0 =	vmul.f32 v1, v0  }
0xa3: {  	s8 =	sadd.s32 $0x110, s7  }
0xa4: {  	v48 =	vmov s8;
	[tilespmem:s21+$0x40] =	vst v0  }
0xa5: {  	v0 =	vshra.s32 v48, $0x6;
	v49 =	vld [tilespmem:s4+$0x50]  }
0xa6: {  	v0 =	vbroadcast v0, $0x0;
	_ =	sdelay $0x5  }
0xa7: {  	v0 =	vld.idx.msk [tilespmem:v0+s20+$0x0], $0xffff  }
0xa8: {  	v1 =	vld.idx.msk [tilespmem:v49+s20+$0x0], $0xffff;
	_ =	sdelay $0x4  }
0xa9: {  	v0 =	vmul.f32 v1, v0  }
0xaa: {  	s8 =	sadd.s32 $0x120, s7  }
0xab: {  	v50 =	vmov s8;
	[tilespmem:s21+$0x50] =	vst v0  }
0xac: {  	v0 =	vshra.s32 v50, $0x6;
	v51 =	vld [tilespmem:s4+$0x60]  }
0xad: {  	v0 =	vbroadcast v0, $0x0;
	_ =	sdelay $0x5  }
0xae: {  	v0 =	vld.idx.msk [tilespmem:v0+s20+$0x0], $0xffff  }
0xaf: {  	v1 =	vld.idx.msk [tilespmem:v51+s20+$0x0], $0xffff;
	_ =	sdelay $0x4  }
0xb0: {  	v0 =	vmul.f32 v1, v0  }
0xb1: {  	s8 =	sadd.s32 $0x130, s7  }
0xb2: {  	v52 =	vmov s8;
	[tilespmem:s21+$0x60] =	vst v0  }
0xb3: {  	v0 =	vshra.s32 v52, $0x6;
	v53 =	vld [tilespmem:s4+$0x70]  }
0xb4: {  	v0 =	vbroadcast v0, $0x0;
	_ =	sdelay $0x5  }
0xb5: {  	v0 =	vld.idx.msk [tilespmem:v0+s20+$0x0], $0xffff  }
0xb6: {  	v1 =	vld.idx.msk [tilespmem:v53+s20+$0x0], $0xffff;
	_ =	sdelay $0x4  }
0xb7: {  	v0 =	vmul.f32 v1, v0  }
0xb8: {  	s8 =	sadd.s32 $0x140, s7  }
0xb9: {  	v54 =	vmov s8;
	[tilespmem:s21+$0x70] =	vst v0  }
0xba: {  	v0 =	vshra.s32 v54, $0x6;
	v55 =	vld [tilespmem:s4+$0x80]  }
0xbb: {  	v0 =	vbroadcast v0, $0x0;
	_ =	sdelay $0x5  }
0xbc: {  	v0 =	vld.idx.msk [tilespmem:v0+s20+$0x0], $0xffff  }
0xbd: {  	v1 =	vld.idx.msk [tilespmem:v55+s20+$0x0], $0xffff;
	_ =	sdelay $0x4  }
0xbe: {  	v0 =	vmul.f32 v1, v0  }
0xbf: {  	s8 =	sadd.s32 $0x150, s7  }
0xc0: {  	v56 =	vmov s8;
	[tilespmem:s21+$0x80] =	vst v0  }
0xc1: {  	v0 =	vshra.s32 v56, $0x6;
	v57 =	vld [tilespmem:s4+$0x90]  }
0xc2: {  	v0 =	vbroadcast v0, $0x0;
	_ =	sdelay $0x5  }
0xc3: {  	v0 =	vld.idx.msk [tilespmem:v0+s20+$0x0], $0xffff  }
0xc4: {  	v1 =	vld.idx.msk [tilespmem:v57+s20+$0x0], $0xffff;
	_ =	sdelay $0x4  }
0xc5: {  	v0 =	vmul.f32 v1, v0  }
0xc6: {  	s8 =	sadd.s32 $0x160, s7  }
0xc7: {  	v58 =	vmov s8;
	[tilespmem:s21+$0x90] =	vst v0  }
0xc8: {  	v0 =	vshra.s32 v58, $0x6;
	v59 =	vld [tilespmem:s4+$0xA0]  }
0xc9: {  	v0 =	vbroadcast v0, $0x0;
	_ =	sdelay $0x5  }
0xca: {  	v0 =	vld.idx.msk [tilespmem:v0+s20+$0x0], $0xffff  }
0xcb: {  	v1 =	vld.idx.msk [tilespmem:v59+s20+$0x0], $0xffff;
	_ =	sdelay $0x4  }
0xcc: {  	v0 =	vmul.f32 v1, v0  }
0xcd: {  	s8 =	sadd.s32 $0x170, s7  }
0xce: {  	v60 =	vmov s8;
	[tilespmem:s21+$0xA0] =	vst v0  }
0xcf: {  	v0 =	vshra.s32 v60, $0x6;
	v61 =	vld [tilespmem:s4+$0xB0]  }
0xd0: {  	v0 =	vbroadcast v0, $0x0;
	_ =	sdelay $0x5  }
0xd1: {  	v0 =	vld.idx.msk [tilespmem:v0+s20+$0x0], $0xffff  }
0xd2: {  	v1 =	vld.idx.msk [tilespmem:v61+s20+$0x0], $0xffff;
	_ =	sdelay $0x4  }
0xd3: {  	v0 =	vmul.f32 v1, v0  }
0xd4: {  	s7 =	sadd.s32 $0x180, s7  }
0xd5: {  	v62 =	vmov s7;
	[tilespmem:s21+$0xB0] =	vst v0  }
0xd6: {  	v0 =	vshra.s32 v62, $0x6;
	v63 =	vld [tilespmem:s4+$0xC0]  }
0xd7: {  	v0 =	vbroadcast v0, $0x0;
	_ =	sdelay $0x5  }
0xd8: {  	v0 =	vld.idx.msk [tilespmem:v0+s20+$0x0], $0xffff  }
0xd9: {  	v1 =	vld.idx.msk [tilespmem:v63+s20+$0x0], $0xffff;
	_ =	sdelay $0x1  }
0xda: {  	p0 =	sne.s32 s6, $0x4C90  }
.Ltmp2:
0xdb: {  	_ = 	snop;
	(pc) =	sbr.rel @p0 .LBB2_2-.Ltmp2, $3  }
0xdc: {  	_ = 	snop  }
0xdd: {  	v0 =	vmul.f32 v1, v0;
	_ =	sdelay $0x1  }
0xde: {  	s6 =	sadd.s32 $0x190, s6;
	s4 =	sadd.s32 $0x190, s4;
	[tilespmem:s21+$0xC0] =	vst v0;
	s21 =	sadd.s32 $0x190, s21  }
0xdf: {  	s4 =	simm.s32 $0x0;
	s6 =	rddreg [dreg:$0x5];
	s7 =	simm.s32 $0x10E50  }
0xe0: {  	[hbm4b:s6+s4] =	stream.linear.scatter [tilespmem:s7], [sflag:$0x7], $0x4E20, $0x38;
	[tilespmem:$0x15C70] =	vst v63  }
0xe1: {  	_ =	swait.ge [sflag:s19], $0x4E20  }
0xe2: {  	[sflag:s19] =	ssyncset.done $0x0  }
0xe3: {  	[sflag:s19] =	ssyncadd.s32 $0xFFFFB1E0  }
0xe4: {  	[tilespmem:s4], [sflag:$0x5] =	stream.linear.gather [hbm4b:s5+s4], $0x190, $0x38;
	[tilespmem:$0x15C70] =	vst v63  }
0xe5: {  	s21 =	rddreg [dreg:$0x6]  }
0xe6: {  	[tilespmem:s22], [sflag:$0x6] =	stream.linear.gather [hbm4b:s21+s4], $0x190, $0x38;
	[tilespmem:$0x15C70] =	vst v63  }
0xe7: {  	_ =	swait.ge [sflag:s23], $0x190  }
0xe8: {  	[sflag:s23] =	ssyncset.done $0x0  }
0xe9: {  	[sflag:s23] =	ssyncadd.s32 $0xFFFFFE70  }
0xea: {  	[tilespmem:s24], [sflag:$0x1] =	stream.indirect.gather [hbm4b:s1+s22], $0x30, s4, s22, $0xb8;
	[tilespmem:$0x15C70] =	vst v63  }
0xeb: {  	_ =	swait.ge [sflag:s25], $0x190  }
0xec: {  	[sflag:s25] =	ssyncset.done $0x0  }
0xed: {  	[sflag:s25] =	ssyncadd.s32 $0xFFFFFE70  }
0xee: {  	[tilespmem:s26], [sflag:$0x2] =	stream.indirect.gather [hbm4b:s1+s22], $0x30, s22, s22, $0xb8;
	[tilespmem:$0x15C70] =	vst v63  }
0xef: {  	_ =	swait.ge [sflag:s28], $0x4B00  }
0xf0: {  	[sflag:s28] =	ssyncset.done $0x0  }
0xf1: {  	[sflag:s28] =	ssyncadd.s32 $0xFFFFB500  }
0xf2: {  	[hbm4b:s9+s29] =	stream.strided.scatter [tilespmem:s24], [sflag:$0x3], $0x4B00, s30, s29, $0x38;
	[tilespmem:$0x15C70] =	vst v63  }
0xf3: {  	_ = 	snop  }
0xf4: {  	[tilespmem:s4], [sflag:$0x5] =	stream.linear.gather [hbm4b:s11+s4], $0x190, $0x38;
	[tilespmem:$0x15C70] =	vst v63  }
0xf5: {  	_ =	swait.ge [sflag:s31], $0x4B00  }
0xf6: {  	[sflag:s31] =	ssyncset.done $0x0  }
0xf7: {  	[sflag:s31] =	ssyncadd.s32 $0xFFFFB500  }
0xf8: {  	[hbm4b:s12+s29] =	stream.strided.scatter [tilespmem:s26], [sflag:$0x4], $0x4B00, s30, s29, $0x38;
	[tilespmem:$0x15C70] =	vst v63  }
0xf9: {  	s6 =	smov.u32 s17;
	s7 =	smov.u32 s15  }
0xfa: {  	[tilespmem:s22], [sflag:$0x6] =	stream.linear.gather [hbm4b:s13+s4], $0x190, $0x38;
	[tilespmem:$0x15C70] =	vst v63  }
.LBB2_4:
0xfb: {  	_ =	swait.ge [sflag:s2], $0x4B00  }
0xfc: {  	[sflag:s2] =	ssyncset.done $0x0  }
0xfd: {  	[sflag:s2] =	ssyncadd.s32 $0xFFFFB500  }
0xfe: {  	_ =	swait.ge [sflag:s23], $0x190  }
0xff: {  	[sflag:s23] =	ssyncset.done $0x0  }
0x100: {  	[sflag:s23] =	ssyncadd.s32 $0xFFFFFE70  }
0x101: {  	[tilespmem:s24], [sflag:$0x1] =	stream.indirect.gather [hbm4b:s1+s22], $0x30, s3, s22, $0xb8;
	[tilespmem:$0x15C70] =	vst v63  }
0x102: {  	_ =	swait.ge [sflag:s0], $0x4B00  }
0x103: {  	[sflag:s0] =	ssyncset.done $0x0  }
0x104: {  	[sflag:s0] =	ssyncadd.s32 $0xFFFFB500  }
0x105: {  	_ =	swait.ge [sflag:s25], $0x190  }
0x106: {  	[sflag:s25] =	ssyncset.done $0x0  }
0x107: {  	[sflag:s25] =	ssyncadd.s32 $0xFFFFFE70  }
0x108: {  	[tilespmem:s26], [sflag:$0x2] =	stream.indirect.gather [hbm4b:s1+s22], $0x30, s22, s22, $0xb8;
	[tilespmem:$0x15C70] =	vst v63  }
0x109: {  	_ =	swait.ge [sflag:s28], $0x4B00  }
0x10a: {  	[sflag:s28] =	ssyncset.done $0x0  }
0x10b: {  	p0 =	seq.s32 s4, $0x8FC;
	[sflag:s28] =	ssyncadd.s32 $0xFFFFB500  }
0x10c: {  	[hbm4b:s6+s29] =	stream.strided.scatter [tilespmem:s24], [sflag:$0x3], $0x4B00, s30, s29, $0x38;
	[tilespmem:$0x15C70] =	vst v63  }
0x10d: {  	s8 =	sadd.s32 @!p0 s4, s16;
	s21 =	simm.s32 @!p0 $0x0  }
0x10e: {  	[tilespmem:s21], [sflag:$0x5] =	stream.linear.gather @!p0 [hbm4b:s8+s21], $0x190, $0x38;
	[tilespmem:$0x15C70] =	vst v63  }
.Ltmp3:
0x10f: {  	_ = 	snop;
	(pc) =	sbr.rel @p0 .LBB2_6-.Ltmp3, $4  }
0x110: {  	_ =	swait.ge [sflag:s31], $0x4B00  }
0x111: {  	[sflag:s31] =	ssyncset.done $0x0  }
0x112: {  	[sflag:s31] =	ssyncadd.s32 $0xFFFFB500  }
0x113: {  	[hbm4b:s7+s29] =	stream.strided.scatter [tilespmem:s26], [sflag:$0x4], $0x4B00, s30, s29, $0x38;
	[tilespmem:$0x15C70] =	vst v63  }
.Ltmp4:
0x114: {  	(pc) =	sbr.rel .LBB2_4-.Ltmp4, $4  }
0x115: {  	_ = 	snop  }
0x116: {  	s8 =	sadd.s32 s4, s14  }
0x117: {  	s4 =	sadd.s32 $0x64, s4;
	s7 =	sadd.s32 $0x3200, s7;
	s6 =	sadd.s32 $0x3200, s6  }
0x118: {  	[tilespmem:s22], [sflag:$0x6] =	stream.linear.gather [hbm4b:s8+s3], $0x190, $0x38;
	[tilespmem:$0x15C70] =	vst v63  }
.LBB2_7:
0x119: {  	_ =	sfence.sel $0x180000  }
0x11a: {  	[bflag:$0x0] =	sbarrier.arrive $0xFFFF  }
0x11b: {  	_ =	strace $0x90000047  }
0x11c: {  	s0 =	stileid.u32;
	[bflag:$0x2] =	sbarrier.arrive $0xFFFF  }
0x11d: {  	p0 =	sne.s32 s0, $0x0;
	s0 =	rddreg [dreg:$0x3]  }
0x11e: {  	s0 =	sadd.s32 @!p0 $0x100000, s0  }
0x11f: {  	[sflag:s0] =	ssyncadd.tile.s32 @!p0 $0x1;
	_ =	shalt  }
.Lfunc_end2:
_tile_overlayer_lowered:
.L_overlay_start_2:
0x120: {  	(tag) =	ssettag $0x2  }
0x121: {  	s0 =	rddreg [dreg:$0x0];
	s2 =	stileid.u32  }
0x122: {  	s1 =	rddreg [dreg:$0x1];
	p0 =	sne.s32 s2, $0x0  }
0x123: {  	s3 =	rddreg [dreg:$0x2];
	[bflag:$0x3] =	sbarrier.arrive $0xFFFF;
	s2 =	simm.s32 @!p0 $0x1C07  }
0x124: {  	[timem:s3], [sflag:s2] =	dma.local @!p0 [hbm:s0], s1  }
0x125: {  	s0 =	simm.s32 @!p0 $0x7  }
0x126: {  	_ =	swait.ge @!p0 [sflag:s0], s1  }
0x127: {  	s1 =	ssub.s32 @!p0 $0x0, s1;
	[sflag:s0] =	ssyncset.done @!p0 $0x0  }
0x128: {  	[sflag:s0] =	ssyncadd.s32 @!p0 s1  }
0x129: {  	[bflag:$0x3] =	sbarrier.arrive $0xFFFF  }
0x12a: {  	_ =	shalt  }

// kernel: sparse-core-data-format-call.cloned.1.call-start
scs
called_computation_lowered:
.L_overlay_start_0:
0x0: {  	s2 =	sld [smem:$0x3FD9]  }
0x1: {  	s3 =	sld [smem:$0x3FFE];
	_ =	sdelay $0x1  }
0x2: {  	s1 =	srdreg.scid  }
0x3: {  	s0 =	sand.u32 $0x1, s1  }
0x4: {  	s15 =	sshll.u32 s0, $0xA;
	s2 =	sadd.s32 s3, s2  }
0x5: {  	s2 =	sadd.s32 s2, s15  }
0x6: {  	[smem:$0x3FC5] =	sst s2  }
0x7: {  	_ = 	snop  }
0x8: {  	s2 =	sld [smem:$0x3FD0];
	_ =	sdelay $0x2  }
0x9: {  	s16 =	simm.s32 $0xA;
	s4 =	simm.s32 $0x10  }
0xa: {  	[smem:s4], [sflag:s16] =	dma.local [hbm:s2], $0x1  }
0xb: {  	_ =	swait.eq [sflag:s16], $0x1  }
0xc: {  	[sflag:s16] =	ssyncset.done $0x0  }
0xd: {  	[sflag:s16] =	ssyncadd.s32 $0xFFFFFFFF  }
0xe: {  	s17 =	sld [smem:$0x10];
	(tm) =	ssettm $0x1  }
0xf: {  	s18 =	sld [smem:$0x3FFB];
	_ =	sdelay $0x3  }
0x10: {  	_ =	strace s18  }
0x11: {  	s3 =	sld [smem:$0x3FFC];
	_ =	sdelay $0x3  }
0x12: {  	_ =	strace s3  }
0x13: {  	s3 =	sld [smem:$0x3FFD];
	_ =	sdelay $0x3  }
0x14: {  	_ =	strace s3  }
0x15: {  	_ =	strace $0x8FFFFFFF  }
0x16: {  	s19 =	sld [smem:$0x3FDB];
	_ =	sdelay $0x1  }
0x17: {  	s20 =	simm.s32 $_scs_section_size  }
0x18: {  	s5 =	simm.s32 $_size__tile_overlayer_lowered;
	s6 =	simm.s32 $_tile_overlayer_lowered  }
0x19: {  	s23 =	simm.s32 $0x1BFF;
	s22 =	sshll.u32 s6, $0x1;
	s3 =	sadd.s32 s20, s19  }
0x1a: {  	s7 =	simm.s32 $0x0;
	s21 =	sshll.u32 s5, $0x1;
	s5 =	sadd.s32 s22, s3  }
0x1b: {  	[timem:s7], [sflag:s23] =	dma.local [hbm:s5], s21  }
0x1c: {  	_ =	swait.ge [sflag:s23], s21  }
0x1d: {  	s4 =	ssub.s32 $0x0, s21;
	[sflag:s23] =	ssyncset.done $0x0  }
0x1e: {  	[sflag:s23] =	ssyncadd.s32 s4;
	_ =	sdelay $0x1  }
0x1f: {  	s24 =	simm.s32 $0x1B8B  }
0x20: {  	_ =	swait.ge [sflag:s24], $0x1  }
0x21: {  	[sflag:s24] =	ssyncset.done $0x0  }
0x22: {  	s26 =	simm.s32 $0x1B8E;
	s25 =	sld [smem:$0x3FFE];
	[sflag:s24] =	ssyncadd.s32 $0xFFFFFFFF  }
0x23: {  	s27 =	simm.s32 $execute0_lowered;
	[smem:$0x3FD2] =	sst s26  }
0x24: {  	s5 =	sshll.u32 s27, $0x1;
	_ =	strace $0x80000049;
	[dreg:$0x1] =	wrdreg $0xFFFFFFFF  }
0x25: {  	s28 =	simm.s32 $_size_execute0_lowered;
	s3 =	sadd.s32 s3, s5;
	[dreg:$0x0] =	wrdreg $0x0  }
0x26: {  	s5 =	sshll.u32 s28, $0x1;
	[dreg:$0x2] =	wrdreg s3  }
0x27: {  	[dreg:$0x3] =	wrdreg s5  }
0x28: {  	[dreg:$0x4] =	wrdreg $0xC0  }
0x29: {  	_ =	task [dreg:s7], $0x5FFFF  }
0x2a: {  	[dreg:$0x1] =	wrdreg $0xFFFFFFFF  }
0x2b: {  	[dreg:$0x0] =	wrdreg $0x60  }
0x2c: {  	[dreg:$0x2] =	wrdreg s25  }
0x2d: {  	[dreg:$0x3] =	wrdreg s17  }
0x2e: {  	[dreg:$0x4] =	wrdreg $0x9  }
0x2f: {  	_ =	task.clear_ibuf [dreg:s7], $0x5FFFF;
	_ =	strace $0x90000049  }
0x30: {  	s29 =	simm.s32 $0x9;
	_ =	strace $0x8000004B  }
0x31: {  	_ =	swait.ge [sflag:s29], $0x1  }
0x32: {  	[sflag:s29] =	ssyncadd.s32 $0xFFFFFFFF  }
0x33: {  	_ =	strace $0x9000004B  }
0x34: {  	_ =	sfence  }
0x35: {  	s30 =	sld [smem:$0x0];
	_ =	sdelay $0x2  }
0x36: {  	s31 =	sshll.u32 s1, $0xD;
	s1 =	sshrl.u32 s1, $0x2  }
0x37: {  	s3 =	sand.u32 $0x4000, s31;
	s1 =	sadd.s32 s1, s30  }
0x38: {  	s0 =	sor.u32 s3, s0;
	s1 =	sshll.u32 s1, $0x11  }
0x39: {  	s0 =	sor.u32 s1, s0  }
0x3a: {  	s0 =	sadd.s32 $0x8F2B, s0  }
0x3b: {  	[sflag:s0] =	ssyncadd.remote.s32 $0x1  }
0x3c: {  	_ =	sfence.sel $0xFFFF  }
0x3d: {  	[dreg:$0x0] =	wrdreg $0xFFFFFFFF;
	(pc) =	sbr.abs _section_cstart, $3  }
0x3e: {  	[dreg:$0x1] =	wrdreg $0xFFFFFFFF  }
0x3f: {  	_ =	task.clear_ibuf [dreg:s7], $0x2FFFF;
	_ =	strace $0x9FFFFFFF  }
0x40: {  	(tm) =	ssettm $0x7FFFFFFF  }
0x41: {  	_ =	shalt  }
tec
execute0_lowered:
.L_overlay_start_1:
0x0: {  	(tag) =	ssettag $0x1  }
0x1: {  	s7 =	rddreg [dreg:$0x0]  }
0x2: {  	s0 =	srdreg.scid;
	s3 =	rddreg [dreg:$0x1]  }
0x3: {  	s6 =	simm.s32 $0x2;
	s18 =	simm.s32 $0x0;
	s9 =	simm.s32 $0xB1C00  }
0x4: {  	s10 =	simm.s32 $0x0;
	s16 =	simm.s32 $0x0;
	s1 =	sshll.u32 s0, $0x4  }
0x5: {  	s17 =	simm.s32 $0x0;
	s0 =	stileid.u32;
	s1 =	sand.u32 $0x10, s1  }
0x6: {  	s19 =	simm.s32 $0x0;
	s11 =	simm.s32 $0x0;
	s1 =	sor.u32 s0, s1  }
0x7: {  	s13 =	simm.s32 $0x0;
	s14 =	simm.s32 $0x0;
	s2 =	sshll.u32 s1, $0x7  }
.Ltmp0:
0x8: {  	s15 =	simm.s32 $0x0;
	s4 =	ssub.s32 $0x2700, s2;
	(pc) =	sbr.rel .LBB1_1-.Ltmp0, $4  }
0x9: {  	s1 =	rddreg [dreg:$0x2];
	_ =	strace $0x8000004A;
	s5 =	sshrl.u32 s4, $0xC  }
0xa: {  	s12 =	smov.u32 s2;
	s4 =	simm.s32 $0x1;
	s8 =	smul.u32 $0x24, s5  }
0xb: {  	[sflag:s4] =	ssyncpa.u1 $0x0;
	s5 =	sadd.s32 $0x1000, s7;
	s7 =	sadd.s32 $0x3C400, s7  }
0xc: {  	[sflag:s6] =	ssyncpa.u1 $0x0;
	s6 =	sadd.s32 $0x24, s8;
	s8 =	sadd.s32 $0x25, s8  }
.LBB1_7:
0xd: {  	s20 =	sadd.s32 $0x1000, s12  }
0xe: {  	s16 =	sadd.s32 $0x40, s11;
	s21 =	smov.u32 s11;
	p1 =	sgt.s32 s20, $0x270F  }
0xf: {  	s21 =	smov.u32 @p1 s16  }
0x10: {  	s16 =	simm.s32 $0x1;
	p2 =	sgt.s32 s21, $0x3F  }
0x11: {  	s16 =	simm.s32 @!p2 $0x0  }
0x12: {  	s22 =	sadd.s32 s16, s13  }
0x13: {  	s23 =	smov.u32 s14;
	s16 =	sadd.s32 $0x2, s14;
	p3 =	sgt.s32 s22, $0x2  }
0x14: {  	p0 =	slt.u32 s15, $0x2;
	s23 =	smov.u32 @p3 s16  }
0x15: {  	s18 =	smov.u32 s12;
	s20 =	smov.u32 @p1 s2;
	p1 =	sgt.s32 s23, $0x17  }
0x16: {  	s24 =	simm.s32 @!p0 $0x2;
	s23 =	simm.s32 @p1 $0x0;
	p1 =	sne.s32 s15, s8  }
.Ltmp1:
0x17: {  	s17 =	smov.u32 s13;
	_ =	swait.ge @!p0 [sflag:s24], $0x4000;
	(pc) =	sbr.rel @!p1 .LBB1_8-.Ltmp1, $4  }
0x18: {  	s19 =	smov.u32 s14;
	s10 =	sadd.s32 $0x4000, s10;
	[sflag:s24] =	ssyncset.done @!p0 $0x0  }
0x19: {  	s12 =	smov.u32 s20;
	s21 =	simm.s32 @p2 $0x0;
	[sflag:s24] =	ssyncadd.s32 @!p0 $0xFFFFC000  }
0x1a: {  	s22 =	simm.s32 @p3 $0x0;
	s16 =	smov.u32 s11;
	s11 =	smov.u32 s21  }
0x1b: {  	s13 =	smov.u32 s22;
	s15 =	sadd.s32 $0x1, s15;
	s14 =	smov.u32 s23  }
.LBB1_1:
0x1c: {  	p0 =	sge.u32 s15, s6  }
0x1d: {  	s20 =	sshrl.u32 @!p0 s11, $0x3  }
0x1e: {  	s21 =	sshll.u32 @!p0 s12, $0x3;
	s20 =	smul.u32 @!p0 $0x13C00, s20  }
0x1f: {  	s22 =	sshll.u32 @!p0 s11, $0x7;
	s21 =	sand.u32 @!p0 $0xFFFFFC00, s21  }
0x20: {  	s20 =	sadd.s32 @!p0 s20, s21;
	s21 =	sand.u32 @!p0 $0x380, s22  }
0x21: {  	s22 =	sand.u32 @!p0 $0x7F, s12;
	s20 =	sor.u32 @!p0 s21, s20  }
0x22: {  	s21 =	sor.u32 @!p0 s22, s20  }
0x23: {  	s22 =	smulhi.u32 @!p0 $0xCF6474A9, s21  }
0x24: {  	s20 =	smulhi.u32 @!p0 $0xCF6474A9, s20  }
0x25: {  	s24 =	smul.u32 @!p0 $0x3B400, s14;
	s22 =	sshrl.u32 @!p0 s22, $0xD  }
0x26: {  	s23 =	sxor.u32 @!p0 $0xFFFFFFFF, s15;
	s20 =	sshrl.u32 @!p0 s20, $0xD;
	s22 =	smul.u32 @!p0 $0x2780, s22  }
0x27: {  	s25 =	smul.u32 @!p0 $0x13C00, s13;
	s27 =	simm.s32 @!p0 $0x13C00;
	s20 =	sand.u32 @!p0 $0x3F, s20  }
0x28: {  	s20 =	smul.u32 @!p0 $0x4F0, s20;
	s21 =	ssub.s32 @!p0 s21, s22;
	s22 =	sadd.s32 @!p0 s5, s24  }
0x29: {  	s23 =	sshll.u32 @!p0 s23, $0xE;
	s22 =	sadd.s32 @!p0 s25, s22;
	s26 =	sand.u32 @!p0 $0x7, s21  }
0x2a: {  	s21 =	sshrl.u32 @!p0 s21, $0x3;
	s22 =	sadd.s32 @!p0 s20, s22;
	s26 =	sshll.u32 @!p0 s26, $0x12  }
0x2b: {  	s23 =	sand.u32 @!p0 $0x4000, s23;
	s22 =	sadd.s32 @!p0 s21, s22;
	s26 =	sor.u32 @!p0 $0x400, s26  }
0x2c: {  	[tilespmem:s23], [sflag:$0x1] =	stream.strided.gather @!p0 [hbm4b:s22+s26], $0x2000, s27, s26, $0x38;
	[tilespmem:$0x10000] =	vst v63  }
0x2d: {  	s22 =	sadd.s32 @!p0 s24, s7  }
0x2e: {  	s22 =	sadd.s32 @!p0 s25, s22  }
0x2f: {  	s20 =	sadd.s32 @!p0 s20, s22  }
0x30: {  	s20 =	sadd.s32 @!p0 s21, s20;
	s21 =	sor.u32 @!p0 $0x2000, s23  }
0x31: {  	[tilespmem:s21], [sflag:$0x1] =	stream.strided.gather @!p0 [hbm4b:s20+s26], $0x2000, s27, s26, $0x38;
	[tilespmem:$0x10000] =	vst v63  }
0x32: {  	p0 =	seq.s32 s15, $0x0  }
0x33: {  	p1 =	sge.u32 @!p0 s15, s8  }
0x34: {  	p0 =	por p0, p1  }
.Ltmp2:
0x35: {  	_ = 	snop;
	(pc) =	sbr.rel @p0 .LBB1_7-.Ltmp2, $1  }
0x36: {  	_ =	sdelay $0x3  }
0x37: {  	s20 =	sshll.u32 s10, $0x2  }
0x38: {  	_ =	swait.ge [sflag:s4], $0x4000;
	s21 =	sshll.u32 s15, $0xE;
	s23 =	simm.s32 $0x0  }
0x39: {  	p1 =	por $0x1, $0x1;
	s20 =	sand.u32 $0x10000, s20;
	[sflag:s4] =	ssyncset.done $0x0  }
0x3a: {  	s21 =	sand.u32 $0x4000, s21;
	s22 =	sshrl.u32 s20, $0x2;
	[sflag:s4] =	ssyncadd.s32 $0xFFFFC000  }
0x3b: {  	s20 =	sor.u32 $0x8000, s21;
	s21 =	sadd.s32 $0x8040, s22;
	s22 =	sadd.s32 $0x40, s22  }
.LBB1_3:
0x3c: {  	s24 =	sshll.u32 s23, $0xD  }
0x3d: {  	s24 =	sand.u32 $0x3FFFE000, s24  }
0x3e: {  	s24 =	sadd.s32 s24, s22  }
0x3f: {  	v0 =	vmov s24;
	_ =	sdelay $0x3  }
0x40: {  	s26 =	simm.s32 $0x0  }
0x41: {  	v6 =	vld.idx.msk [tilespmem:v0+s26+$0x30 ss:$0x1], $0xffff  }
0x42: {  	v7 =	vld.idx.msk [tilespmem:v0+s26+$0xFFFFFFC0 ss:$0x1], $0xffff  }
0x43: {  	v1 =	vld.idx.msk [tilespmem:v0+s26+$0xFFFFFFD0 ss:$0x1], $0xffff  }
0x44: {  	s31 =	sshll.u32 s23, $0x7;
	v2 =	vld.idx.msk [tilespmem:v0+s26+$0xFFFFFFE0 ss:$0x1], $0xffff  }
0x45: {  	s23 =	sand.u32 $0x3FFFFF80, s31;
	v3 =	vld.idx.msk [tilespmem:v0+s26+$0xFFFFFFF0 ss:$0x1], $0xffff  }
0x46: {  	s23 =	sadd.s32 s23, s21;
	v4 =	vld.idx.msk [tilespmem:v0+s26+$0x0 ss:$0x1], $0xffff  }
0x47: {  	v5 =	vld.idx.msk [tilespmem:v0+s26+$0x10 ss:$0x1], $0xffff;
	[tilespmem:s23+$0x30] =	vst v6  }
0x48: {  	p0 =	por p1, p1;
	s25 =	simm.s32 $0x400;
	s24 =	simm.s32 $0x80;
	[tilespmem:s23+$0xFFFFFFC0] =	vst v7;
	v6 =	vld.idx.msk [tilespmem:v0+s26+$0x20 ss:$0x1], $0xffff  }
.LBB1_4:
0x49: {  	p1 =	sne.s32 s25, $0x7E00;
	v7 =	vld.idx.msk [tilespmem:v0+s24+$0x30 ss:$0x1], $0xffff;
	[tilespmem:s23+$0xFFFFFFD0] =	vst v1  }
0x4a: {  	v8 =	vld.idx.msk [tilespmem:v0+s24+$0xFFFFFFC0 ss:$0x1], $0xffff;
	[tilespmem:s23+$0xFFFFFFE0] =	vst v2  }
0x4b: {  	v1 =	vld.idx.msk [tilespmem:v0+s24+$0xFFFFFFD0 ss:$0x1], $0xffff;
	[tilespmem:s23+$0xFFFFFFF0] =	vst v3  }
.Ltmp3:
0x4c: {  	v2 =	vld.idx.msk [tilespmem:v0+s24+$0xFFFFFFE0 ss:$0x1], $0xffff;
	[tilespmem:s23+$0x0] =	vst v4;
	(pc) =	sbr.rel @p1 .LBB1_4-.Ltmp3, $4  }
0x4d: {  	v3 =	vld.idx.msk [tilespmem:v0+s24+$0xFFFFFFF0 ss:$0x1], $0xffff;
	[tilespmem:s23+$0x10] =	vst v5  }
0x4e: {  	v4 =	vld.idx.msk [tilespmem:v0+s24+$0x0 ss:$0x1], $0xffff;
	[tilespmem:s23+$0x20] =	vst v6;
	s23 =	sadd.s32 $0x100, s23  }
0x4f: {  	v5 =	vld.idx.msk [tilespmem:v0+s24+$0x10 ss:$0x1], $0xffff;
	[tilespmem:s23+$0x30] =	vst v7  }
0x50: {  	[tilespmem:s23+$0xFFFFFFC0] =	vst v8;
	v6 =	vld.idx.msk [tilespmem:v0+s24+$0x20 ss:$0x1], $0xffff;
	s24 =	sshra.s32 s25, $0x2;
	s25 =	sadd.s32 $0x200, s25  }
0x51: {  	_ =	sdelay $0x2  }
0x52: {  	[tilespmem:s23+$0xFFFFFFD0] =	vst v1  }
0x53: {  	v56 =	vld.idx.msk [tilespmem:v0+s24+$0x30 ss:$0x1], $0xffff;
	[tilespmem:s23+$0xFFFFFFE0] =	vst v2  }
0x54: {  	v57 =	vld.idx.msk [tilespmem:v0+s24+$0xFFFFFFC0 ss:$0x1], $0xffff;
	[tilespmem:s23+$0xFFFFFFF0] =	vst v3  }
0x55: {  	v58 =	vld.idx.msk [tilespmem:v0+s24+$0xFFFFFFD0 ss:$0x1], $0xffff;
	[tilespmem:s23+$0x0] =	vst v4  }
0x56: {  	v59 =	vld.idx.msk [tilespmem:v0+s24+$0xFFFFFFE0 ss:$0x1], $0xffff;
	[tilespmem:s23+$0x10] =	vst v5  }
0x57: {  	v60 =	vld.idx.msk [tilespmem:v0+s24+$0xFFFFFFF0 ss:$0x1], $0xffff;
	s31 =	sadd.s32 $0x100, s23;
	[tilespmem:s23+$0x20] =	vst v6  }
0x58: {  	v61 =	vld.idx.msk [tilespmem:v0+s24+$0x0 ss:$0x1], $0xffff;
	[tilespmem:s31+$0x30] =	vst v56  }
0x59: {  	v62 =	vld.idx.msk [tilespmem:v0+s24+$0x10 ss:$0x1], $0xffff;
	[tilespmem:s31+$0xFFFFFFC0] =	vst v57  }
0x5a: {  	v63 =	vld.idx.msk [tilespmem:v0+s24+$0x20 ss:$0x1], $0xffff;
	[tilespmem:s31+$0xFFFFFFD0] =	vst v58  }
.Ltmp4:
0x5b: {  	[tilespmem:s31+$0xFFFFFFE0] =	vst v59;
	(pc) =	sbr.rel @p0 .LBB1_3-.Ltmp4, $4  }
0x5c: {  	[tilespmem:s31+$0xFFFFFFF0] =	vst v60  }
0x5d: {  	[tilespmem:s31+$0x0] =	vst v61  }
0x5e: {  	[tilespmem:s31+$0x10] =	vst v62  }
0x5f: {  	p1 =	por $0x0, $0x0;
	s23 =	simm.s32 $0x1;
	[tilespmem:s31+$0x20] =	vst v63  }
0x60: {  	s21 =	sshrl.u32 s19, $0x3  }
0x61: {  	s22 =	sshll.u32 s18, $0x3;
	s21 =	smul.u32 $0x13C00, s21  }
0x62: {  	s27 =	sshll.u32 s19, $0x7;
	s22 =	sand.u32 $0xFFFFFC00, s22  }
0x63: {  	s19 =	sand.u32 $0x380, s27;
	s21 =	sadd.s32 s21, s22  }
0x64: {  	s28 =	sand.u32 $0x7F, s18;
	s19 =	sor.u32 s19, s21  }
0x65: {  	s18 =	sor.u32 s28, s19;
	s19 =	smulhi.u32 $0xCF6474A9, s19;
	_ =	sdelay $0x1  }
0x66: {  	s17 =	smul.u32 $0x7680, s17;
	s19 =	sshrl.u32 s19, $0xD  }
0x67: {  	s30 =	smulhi.u32 $0xAAAAAAB, s19  }
0x68: {  	s29 =	smulhi.u32 $0xCF6474A9, s18  }
0x69: {  	s22 =	smul.u32 $0x18, s30  }
0x6a: {  	s16 =	smul.u32 $0x16380, s16;
	s21 =	sshrl.u32 s29, $0xD  }
0x6b: {  	s21 =	smul.u32 $0x2780, s21;
	s19 =	ssub.s32 s19, s22  }
0x6c: {  	s19 =	smul.u32 $0x4F0, s19  }
.Ltmp5:
0x6d: {  	s17 =	sadd.s32 s3, s17;
	s18 =	ssub.s32 s18, s21;
	(pc) =	sbr.rel .LBB1_7-.Ltmp5, $4  }
0x6e: {  	s16 =	sadd.s32 s16, s17;
	s31 =	sand.u32 $0x7, s18  }
0x6f: {  	s18 =	sshrl.u32 s18, $0x3;
	s17 =	sshll.u32 s31, $0x12;
	s16 =	sadd.s32 s19, s16  }
0x70: {  	s17 =	sor.u32 $0x100, s17;
	s16 =	sadd.s32 s18, s16  }
0x71: {  	[hbm4b:s16+s17] =	stream.strided.scatter [tilespmem:s20], [sflag:$0x2], $0x4000, s9, s17, $0x38;
	[tilespmem:$0x10000] =	vst v63  }
.LBB1_8:
0x72: {  	_ =	sfence.sel $0x180000  }
0x73: {  	s2 =	simm.s32 $0x1;
	[bflag:$0x0] =	sbarrier.arrive $0xFFFF  }
0x74: {  	s31 =	simm.s32 $0x2;
	[sflag:s2] =	ssyncpa.u1 $0x1  }
0x75: {  	[sflag:s31] =	ssyncpa.u1 $0x1  }
0x76: {  	p0 =	sne.s32 s0, $0x0;
	_ =	strace $0x9000004A  }
0x77: {  	s0 =	sadd.s32 @!p0 $0x100000, s1;
	[bflag:$0x2] =	sbarrier.arrive $0xFFFF  }
0x78: {  	[sflag:s0] =	ssyncadd.tile.s32 @!p0 $0x1;
	_ =	shalt  }
.Lfunc_end1:
_tile_overlayer_lowered:
.L_overlay_start_2:
0x79: {  	(tag) =	ssettag $0x2  }
0x7a: {  	s0 =	rddreg [dreg:$0x0];
	s2 =	stileid.u32  }
0x7b: {  	s1 =	rddreg [dreg:$0x1];
	p0 =	sne.s32 s2, $0x0  }
0x7c: {  	s3 =	rddreg [dreg:$0x2];
	[bflag:$0x3] =	sbarrier.arrive $0xFFFF;
	s2 =	simm.s32 @!p0 $0x1C01  }
0x7d: {  	[timem:s3], [sflag:s2] =	dma.local @!p0 [hbm:s0], s1  }
0x7e: {  	s0 =	simm.s32 @!p0 $0x1  }
0x7f: {  	_ =	swait.ge @!p0 [sflag:s0], s1  }
0x80: {  	s1 =	ssub.s32 @!p0 $0x0, s1;
	[sflag:s0] =	ssyncset.done @!p0 $0x0  }
0x81: {  	[sflag:s0] =	ssyncadd.s32 @!p0 s1  }
0x82: {  	[bflag:$0x3] =	sbarrier.arrive $0xFFFF  }
0x83: {  	_ =	shalt  }

</sc_bundles>
